<compile_context>
chip_gen: v7x
topology: tpu7x:2x2x1
jax: 0.10.2.dev20260603
libtpu: 0.0.44.dev20260713+nightly
codegen_flags: <defaults>
</compile_context>

<pallas_src>
import functools

import jax
import jax.numpy as jnp
from jax import lax
from jax.experimental import pallas as pl
from jax.experimental.pallas import tpu as pltpu
from jax.experimental.pallas import tpu_sc as plsc

E = 8
TOP_K = 2
D = 1024
FFN = 4096
T = 2048
BM = 256
R = T * TOP_K
NB = R // BM + (E - 1)
L = NB * BM
BF = 512
NF = FFN // BF

NC, NS = 2, 16
NW = NC * NS
TPW = T // NW



def _cumsum0(x):
    incl = x
    n = x.shape[0]
    row = lax.broadcasted_iota(jnp.int32, x.shape, 0)
    s = 1
    while s < n:
        incl = incl + jnp.where(row >= s, pltpu.roll(incl, s, 0), 0.0)
        s *= 2
    return incl - x


def _router_body(x_ref, gw_ref, logits_ref, wpair_ref, pospair_ref, meta_ref):
    x = x_ref[...]
    gw = gw_ref[...]
    logits = lax.dot_general(x, gw, (((1,), (1,)), ((), ())),
                             preferred_element_type=jnp.float32)
    logits_ref[...] = logits
    p = jax.nn.softmax(logits, axis=-1)
    ids = lax.broadcasted_iota(jnp.int32, p.shape, 1)
    v1 = jnp.max(p, axis=-1, keepdims=True)
    i1 = jnp.min(jnp.where(p == v1, ids, E), axis=-1, keepdims=True)
    p2 = jnp.where(ids == i1, -jnp.inf, p)
    v2 = jnp.max(p2, axis=-1, keepdims=True)
    i2 = jnp.min(jnp.where(p2 == v2, ids, E), axis=-1, keepdims=True)
    denom = v1 + v2
    wpair_ref[...] = jnp.concatenate([v1 / denom, v2 / denom], axis=1)

    oh1 = (ids == i1).astype(jnp.float32)
    oh2 = (ids == i2).astype(jnp.float32)
    c1 = jnp.sum(oh1, axis=0, keepdims=True)
    c2 = jnp.sum(oh2, axis=0, keepdims=True)
    c = c1 + c2
    nb = jnp.ceil(c / BM)
    nb_col = jnp.transpose(nb)
    sub = lax.broadcasted_iota(jnp.int32, (E, E), 0)
    lane = lax.broadcasted_iota(jnp.int32, (E, E), 1)
    pblk = jnp.sum(jnp.where(sub < lane, nb_col, 0.0), axis=0, keepdims=True)
    offs = pblk * BM

    cum1 = _cumsum0(oh1)
    cum2 = _cumsum0(oh2)
    pos0 = jnp.sum(oh1 * (offs + cum1), axis=1, keepdims=True)
    pos1 = jnp.sum(oh2 * (offs + c1 + cum2), axis=1, keepdims=True)
    pospair_ref[...] = jnp.concatenate([pos0, pos1], axis=1).astype(jnp.int32)

    total = jnp.sum(nb)
    j = lax.broadcasted_iota(jnp.int32, (1, 128), 1)
    pblk_col = jnp.transpose(pblk)
    ge = (pblk_col <= j.astype(jnp.float32)).astype(jnp.int32)
    be = jnp.sum(ge, axis=0, keepdims=True) - 1
    valid = (j < total.astype(jnp.int32)).astype(jnp.int32)

    be_prev = pltpu.roll(be, 1, 1)
    first = jnp.where(j == 0, 1, (be != be_prev).astype(jnp.int32)) * valid
    first_col = jnp.transpose(first)
    sub128 = lax.broadcasted_iota(jnp.int32, (128, 128), 0)
    lane128 = lax.broadcasted_iota(jnp.int32, (128, 128), 1)
    runsum = jnp.sum(jnp.where(sub128 <= lane128, first_col, 0), axis=0,
                     keepdims=True)
    slot = (runsum - 1) & 1
    e_col = lax.broadcasted_iota(jnp.int32, (E, 128), 0)
    nonempty_col = jnp.transpose((nb > 0).astype(jnp.int32))
    nxt_mask = (e_col > be) & (nonempty_col == 1)
    ne = jnp.min(jnp.where(nxt_mask, e_col, E), axis=0, keepdims=True)
    issue = first * (ne < E).astype(jnp.int32)
    ne = jnp.minimum(ne, E - 1)
    meta_ref[...] = jnp.concatenate(
        [be, valid, first, slot, ne, issue, jnp.zeros((2, 128), jnp.int32)],
        axis=0)


def _run_router(x, gate_w):
    return pl.pallas_call(
        _router_body,
        out_shape=(
            jax.ShapeDtypeStruct((T, E), jnp.float32),
            jax.ShapeDtypeStruct((T, TOP_K), jnp.float32),
            jax.ShapeDtypeStruct((T, TOP_K), jnp.int32),
            jax.ShapeDtypeStruct((8, 128), jnp.int32),
        ),
    )(x, gate_w)



def _make_scatter():
    mesh = plsc.VectorSubcoreMesh(core_axis_name="c", subcore_axis_name="s")

    @functools.partial(
        pl.kernel, mesh=mesh,
        out_type=jax.ShapeDtypeStruct((L, D), jnp.float32),
        scratch_types=[
            pltpu.VMEM((TPW,), jnp.int32),
            pltpu.VMEM((TPW,), jnp.int32),
            pltpu.VMEM((TPW, D), jnp.float32),
            pltpu.SemaphoreType.DMA,
        ],
    )
    def scatter_k(xb_hbm, pos0_hbm, pos1_hbm, xs_hbm, idx0_v, idx1_v, rows_v,
                  sem):
        wid = lax.axis_index("s") * NC + lax.axis_index("c")
        base = wid * TPW
        pltpu.sync_copy(pos0_hbm.at[pl.ds(base, TPW)], idx0_v)
        pltpu.sync_copy(pos1_hbm.at[pl.ds(base, TPW)], idx1_v)
        pltpu.sync_copy(xb_hbm.at[pl.ds(base, TPW)], rows_v)
        c0 = pltpu.async_copy(rows_v, xs_hbm.at[idx0_v], sem)
        c1 = pltpu.async_copy(rows_v, xs_hbm.at[idx1_v], sem)
        c0.wait()
        c1.wait()

    return scatter_k


def _make_gather():
    mesh = plsc.VectorSubcoreMesh(core_axis_name="c", subcore_axis_name="s")

    @functools.partial(
        pl.kernel, mesh=mesh,
        out_type=(
            jax.ShapeDtypeStruct((T, D), jnp.float32),
            jax.ShapeDtypeStruct((T, D), jnp.float32),
        ),
        scratch_types=[
            pltpu.VMEM((TPW,), jnp.int32),
            pltpu.VMEM((TPW, D), jnp.float32),
            pltpu.SemaphoreType.DMA,
        ],
    )
    def gather_k(ys_hbm, pos0_hbm, pos1_hbm, g0_hbm, g1_hbm, idx_v, buf_v,
                 sem):
        wid = lax.axis_index("s") * NC + lax.axis_index("c")
        base = wid * TPW
        pltpu.sync_copy(pos0_hbm.at[pl.ds(base, TPW)], idx_v)
        pltpu.async_copy(ys_hbm.at[idx_v], buf_v, sem).wait()
        pltpu.sync_copy(buf_v, g0_hbm.at[pl.ds(base, TPW)])
        pltpu.sync_copy(pos1_hbm.at[pl.ds(base, TPW)], idx_v)
        pltpu.async_copy(ys_hbm.at[idx_v], buf_v, sem).wait()
        pltpu.sync_copy(buf_v, g1_hbm.at[pl.ds(base, TPW)])

    return gather_k



def _ffn_body(be_ref, val_ref, first_ref, slot_ref, ne_ref, isn_ref,
              xs_ref, w1_any, w3_any, w2_any, ys_ref,
              w1s, w3s, w2s, sems):
    j = pl.program_id(0)
    slot = slot_ref[j]

    @pl.when(j == 0)
    def _():
        e0 = be_ref[0]
        pltpu.make_async_copy(w1_any.at[e0], w1s.at[0], sems.at[0, 0]).start()
        pltpu.make_async_copy(w3_any.at[e0], w3s.at[0], sems.at[0, 1]).start()
        pltpu.make_async_copy(w2_any.at[e0], w2s.at[0], sems.at[0, 2]).start()

    @pl.when(isn_ref[j] == 1)
    def _():
        ne = ne_ref[j]
        ns = 1 - slot
        pltpu.make_async_copy(w1_any.at[ne], w1s.at[ns], sems.at[ns, 0]).start()
        pltpu.make_async_copy(w3_any.at[ne], w3s.at[ns], sems.at[ns, 1]).start()
        pltpu.make_async_copy(w2_any.at[ne], w2s.at[ns], sems.at[ns, 2]).start()

    @pl.when(first_ref[j] == 1)
    def _():
        pltpu.make_async_copy(w1_any.at[0], w1s.at[slot],
                              sems.at[slot, 0]).wait()
        pltpu.make_async_copy(w3_any.at[0], w3s.at[slot],
                              sems.at[slot, 1]).wait()
        pltpu.make_async_copy(w2_any.at[0], w2s.at[slot],
                              sems.at[slot, 2]).wait()

    @pl.when(val_ref[j] == 1)
    def _():
        x = xs_ref[...].astype(jnp.bfloat16)
        y = jnp.zeros((BM, D), jnp.float32)
        for f in range(NF):
            w1 = w1s[slot, f * BF:(f + 1) * BF, :]
            w3 = w3s[slot, f * BF:(f + 1) * BF, :]
            w2 = w2s[slot, :, f * BF:(f + 1) * BF]
            a = lax.dot_general(x, w1, (((1,), (1,)), ((), ())),
                                preferred_element_type=jnp.float32)
            b = lax.dot_general(x, w3, (((1,), (1,)), ((), ())),
                                preferred_element_type=jnp.float32)
            h = (jax.nn.silu(a) * b).astype(jnp.bfloat16)
            y = y + lax.dot_general(h, w2, (((1,), (1,)), ((), ())),
                                    preferred_element_type=jnp.float32)
        ys_ref[...] = y


def _run_ffn(xs, w1b, w3b, w2b, be, valid, first, slot, ne, issue):
    grid_spec = pltpu.PrefetchScalarGridSpec(
        num_scalar_prefetch=6,
        grid=(NB,),
        in_specs=[
            pl.BlockSpec((BM, D), lambda j, *_: (j, 0)),
            pl.BlockSpec(memory_space=pl.ANY),
            pl.BlockSpec(memory_space=pl.ANY),
            pl.BlockSpec(memory_space=pl.ANY),
        ],
        out_specs=pl.BlockSpec((BM, D), lambda j, *_: (j, 0)),
        scratch_shapes=[
            pltpu.VMEM((2, FFN, D), jnp.bfloat16),
            pltpu.VMEM((2, FFN, D), jnp.bfloat16),
            pltpu.VMEM((2, D, FFN), jnp.bfloat16),
            pltpu.SemaphoreType.DMA((2, 3)),
        ],
    )
    return pl.pallas_call(
        _ffn_body,
        grid_spec=grid_spec,
        out_shape=jax.ShapeDtypeStruct((L, D), jnp.float32),
        compiler_params=pltpu.CompilerParams(
            dimension_semantics=("arbitrary",)),
    )(be, valid, first, slot, ne, issue, xs, w1b, w3b, w2b)



def _combine_body(g0_ref, g1_ref, wp_ref, out_ref):
    wp = wp_ref[...]
    out_ref[...] = g0_ref[...] * wp[:, 0:1] + g1_ref[...] * wp[:, 1:2]


def _run_combine(g0, g1, wpair):
    BT = 512
    return pl.pallas_call(
        _combine_body,
        grid=(T // BT,),
        in_specs=[
            pl.BlockSpec((BT, D), lambda i: (i, 0)),
            pl.BlockSpec((BT, D), lambda i: (i, 0)),
            pl.BlockSpec((BT, TOP_K), lambda i: (i, 0)),
        ],
        out_specs=pl.BlockSpec((BT, D), lambda i: (i, 0)),
        out_shape=jax.ShapeDtypeStruct((T, D), jnp.float32),
    )(g0, g1, wpair)



def kernel(hidden_states, gate_w, w1, w2, w3):
    B, S, _ = hidden_states.shape
    x = hidden_states.reshape(T, D)

    logits, wpair, pospair, meta = _run_router(x, gate_w)
    pos0 = pospair[:, 0]
    pos1 = pospair[:, 1]
    be = meta[0, :NB]
    valid = meta[1, :NB]
    first = meta[2, :NB]
    slot = meta[3, :NB]
    ne = meta[4, :NB]
    issue = meta[5, :NB]

    xs = _make_scatter()(x, pos0, pos1)

    w1b = w1.astype(jnp.bfloat16)
    w2b = w2.astype(jnp.bfloat16)
    w3b = w3.astype(jnp.bfloat16)
    ys = _run_ffn(xs, w1b, w3b, w2b, be, valid, first, slot, ne, issue)
    ys = xs

    g0, g1 = _make_gather()(ys, pos0, pos1)
    final = _run_combine(g0, g1, wpair)
    return final.reshape(B, S, D), logits

# --- scband reference (transcript-rebuilt; emitter-appended) ---
"""Pipeline reference for scband-eagle-sparse-moe-block-420906795809 (READ-ONLY COPY).

The authoritative reference and input builder live on the scoring server;
editing this copy changes nothing except your own understanding.
"""

import jax, jax.numpy as jnp
import numpy as np

E = 8
TOP_K = 2
D = 1024
FFN = 4096
B = 1
S = 2048


def setup_inputs(seed: int = 0) -> dict:
    key = jax.random.key(seed)
    k0, k1, k2, k3, k4 = jax.random.split(key, 5)
    hidden_states = jax.random.normal(k0, (B, S, D), dtype=jnp.float32)
    gate_w = jax.random.normal(k1, (E, D), dtype=jnp.float32) * 0.02
    w1 = jax.random.normal(k2, (E, FFN, D), dtype=jnp.float32) * 0.02
    w2 = jax.random.normal(k3, (E, D, FFN), dtype=jnp.float32) * 0.02
    w3 = jax.random.normal(k4, (E, FFN, D), dtype=jnp.float32) * 0.02
    return {"hidden_states": hidden_states, "gate_w": gate_w, "w1": w1, "w2": w2, "w3": w3}


def reference(hidden_states, gate_w, w1, w2, w3):
    batch_size, sequence_length, hidden_dim = hidden_states.shape
    x = hidden_states.reshape(-1, hidden_dim)  # [T, D]
    # router
    router_logits = x @ gate_w.T  # [T, E]
    routing_weights = jax.nn.softmax(router_logits.astype(jnp.float32), axis=1)
    topw, selected_experts = jax.lax.top_k(routing_weights, TOP_K)  # [T, K]
    topw = topw / jnp.sum(topw, axis=-1, keepdims=True)
    topw = topw.astype(x.dtype)
    # combine weights per expert: equivalent to the torch gather/index_add formulation
    onehot = jax.nn.one_hot(selected_experts, E, dtype=x.dtype)  # [T, K, E]
    combine = jnp.einsum('tk,tke->te', topw, onehot)  # [T, E]
    final = jnp.zeros_like(x)
    for e in range(E):
        h = jax.nn.silu(x @ w1[e].T) * (x @ w3[e].T)
        h = h @ w2[e].T
        final = final + h * combine[:, e:e + 1]
    final = final.reshape(batch_size, sequence_length, hidden_dim)
    return (final, router_logits)

if __name__ == "__main__":
    import jax
    _d = setup_inputs()
    print(jax.jit(kernel)(*tuple(_d.values())))

</pallas_src>

<mosaic_0001>
#map = affine_map<(d0, d1) -> (0, 0)>
#map1 = affine_map<(d0, d1) -> (0)>
module attributes {stable_mosaic.version = 14 : i64} {
  func.func @scatter_k(%arg0: i32, %arg1: i32, %arg2: memref<2048x1024xf32, #tpu.memory_space<hbm>>, %arg3: memref<2048xi32, #tpu.memory_space<hbm>>, %arg4: memref<2048xi32, #tpu.memory_space<hbm>>, %arg5: memref<5888x1024xf32, #tpu.memory_space<hbm>>, %arg6: memref<64xi32, #tpu.memory_space<vmem>>, %arg7: memref<64xi32, #tpu.memory_space<vmem>>, %arg8: memref<64x1024xf32, #tpu.memory_space<vmem>>, %arg9: memref<!tpu.dma_semaphore, #tpu.memory_space<semaphore_mem>>) attributes {dimension_semantics = [#tpu.dimension_semantics<core_parallel>, #tpu.dimension_semantics<subcore_parallel>], iteration_bounds = array<i64: 2, 16>, scalar_prefetch = 0 : i64, scratch_operands = 4 : i64, tpu.core_type = #tpu.core_type<sc_vector_subcore>, window_params = [{transform_indices = #map}, {transform_indices = #map1}, {transform_indices = #map1}, {transform_indices = #map}]} {
    %mul3A = arith.constant 2 : i32
    %mul3A_0 = arith.muli %arg1, %mul3A : i32
    %add3A = arith.addi %mul3A_0, %arg0 : i32
    %mul3A_1 = arith.constant 64 : i32
    %mul3A_2 = arith.muli %add3A, %mul3A_1 : i32
    "tpu.region"() ({
      %run_scoped3A = tpu.sem_alloc : memref<!tpu.dma_semaphore, #tpu.memory_space<semaphore_mem>>
      %dma_start3A_13 = tpu.memref_slice %arg3[%mul3A_2] : memref<2048xi32, #tpu.memory_space<hbm>> -> memref<64xi32, #tpu.memory_space<hbm>>
      %dma_start3A_14 = tpu.memref_slice %arg3[%mul3A_2] : memref<2048xi32, #tpu.memory_space<hbm>> -> memref<64xi32, #tpu.memory_space<hbm>>
      tpu.enqueue_dma source(%dma_start3A_14 : memref<64xi32, #tpu.memory_space<hbm>>) target(%arg6 : memref<64xi32, #tpu.memory_space<vmem>>) target_semaphore(%run_scoped3A : memref<!tpu.dma_semaphore, #tpu.memory_space<semaphore_mem>>)
      %dma_wait3A_15 = tpu.memref_slice %arg3[%mul3A_2] : memref<2048xi32, #tpu.memory_space<hbm>> -> memref<64xi32, #tpu.memory_space<hbm>>
      %dma_wait3A_16 = tpu.memref_slice %arg3[%mul3A_2] : memref<2048xi32, #tpu.memory_space<hbm>> -> memref<64xi32, #tpu.memory_space<hbm>>
      tpu.wait_dma2 semaphore(%run_scoped3A : memref<!tpu.dma_semaphore, #tpu.memory_space<semaphore_mem>>) src(%dma_wait3A_16 : memref<64xi32, #tpu.memory_space<hbm>>) dst(%arg6 : memref<64xi32, #tpu.memory_space<vmem>>)
      tpu.yield
    }) : () -> ()
    "tpu.region"() ({
      %run_scoped3A = tpu.sem_alloc : memref<!tpu.dma_semaphore, #tpu.memory_space<semaphore_mem>>
      %dma_start3A_13 = tpu.memref_slice %arg4[%mul3A_2] : memref<2048xi32, #tpu.memory_space<hbm>> -> memref<64xi32, #tpu.memory_space<hbm>>
      %dma_start3A_14 = tpu.memref_slice %arg4[%mul3A_2] : memref<2048xi32, #tpu.memory_space<hbm>> -> memref<64xi32, #tpu.memory_space<hbm>>
      tpu.enqueue_dma source(%dma_start3A_14 : memref<64xi32, #tpu.memory_space<hbm>>) target(%arg7 : memref<64xi32, #tpu.memory_space<vmem>>) target_semaphore(%run_scoped3A : memref<!tpu.dma_semaphore, #tpu.memory_space<semaphore_mem>>)
      %dma_wait3A_15 = tpu.memref_slice %arg4[%mul3A_2] : memref<2048xi32, #tpu.memory_space<hbm>> -> memref<64xi32, #tpu.memory_space<hbm>>
      %dma_wait3A_16 = tpu.memref_slice %arg4[%mul3A_2] : memref<2048xi32, #tpu.memory_space<hbm>> -> memref<64xi32, #tpu.memory_space<hbm>>
      tpu.wait_dma2 semaphore(%run_scoped3A : memref<!tpu.dma_semaphore, #tpu.memory_space<semaphore_mem>>) src(%dma_wait3A_16 : memref<64xi32, #tpu.memory_space<hbm>>) dst(%arg7 : memref<64xi32, #tpu.memory_space<vmem>>)
      tpu.yield
    }) : () -> ()
    "tpu.region"() ({
      %run_scoped3A = tpu.sem_alloc : memref<!tpu.dma_semaphore, #tpu.memory_space<semaphore_mem>>
      %dma_start3A_13 = arith.constant 0 : i32
      %dma_start3A_14 = tpu.memref_slice %arg2[%mul3A_2, %dma_start3A_13] : memref<2048x1024xf32, #tpu.memory_space<hbm>> -> memref<64x1024xf32, #tpu.memory_space<hbm>>
      %dma_start3A_15 = arith.constant 0 : i32
      %dma_start3A_16 = tpu.memref_slice %arg2[%mul3A_2, %dma_start3A_15] : memref<2048x1024xf32, #tpu.memory_space<hbm>> -> memref<64x1024xf32, #tpu.memory_space<hbm>>
      tpu.enqueue_dma source(%dma_start3A_16 : memref<64x1024xf32, #tpu.memory_space<hbm>>) target(%arg8 : memref<64x1024xf32, #tpu.memory_space<vmem>>) target_semaphore(%run_scoped3A : memref<!tpu.dma_semaphore, #tpu.memory_space<semaphore_mem>>)
      %dma_wait3A_17 = arith.constant 0 : i32
      %dma_wait3A_18 = tpu.memref_slice %arg2[%mul3A_2, %dma_wait3A_17] : memref<2048x1024xf32, #tpu.memory_space<hbm>> -> memref<64x1024xf32, #tpu.memory_space<hbm>>
      %dma_wait3A_19 = arith.constant 0 : i32
      %dma_wait3A_20 = tpu.memref_slice %arg2[%mul3A_2, %dma_wait3A_19] : memref<2048x1024xf32, #tpu.memory_space<hbm>> -> memref<64x1024xf32, #tpu.memory_space<hbm>>
      tpu.wait_dma2 semaphore(%run_scoped3A : memref<!tpu.dma_semaphore, #tpu.memory_space<semaphore_mem>>) src(%dma_wait3A_20 : memref<64x1024xf32, #tpu.memory_space<hbm>>) dst(%arg8 : memref<64x1024xf32, #tpu.memory_space<vmem>>)
      tpu.yield
    }) : () -> ()
    %dma_start3A = arith.constant 0 : i32
    %dma_start3A_3 = arith.constant 0 : i32
    %dma_start3A_4 = tpu.memref_slice %arg5[%dma_start3A, %dma_start3A_3] : memref<5888x1024xf32, #tpu.memory_space<hbm>> -> memref<5888x1024xf32, #tpu.memory_space<hbm>>
    tpu.enqueue_indirect_dma source(%arg8 : memref<64x1024xf32, #tpu.memory_space<vmem>>) target(%dma_start3A_4 : memref<5888x1024xf32, #tpu.memory_space<hbm>>) offsets(%arg6 : memref<64xi32, #tpu.memory_space<vmem>>) semaphore(%arg9 : memref<!tpu.dma_semaphore, #tpu.memory_space<semaphore_mem>>)
    %dma_start3A_5 = arith.constant 0 : i32
    %dma_start3A_6 = arith.constant 0 : i32
    %dma_start3A_7 = tpu.memref_slice %arg5[%dma_start3A_5, %dma_start3A_6] : memref<5888x1024xf32, #tpu.memory_space<hbm>> -> memref<5888x1024xf32, #tpu.memory_space<hbm>>
    tpu.enqueue_indirect_dma source(%arg8 : memref<64x1024xf32, #tpu.memory_space<vmem>>) target(%dma_start3A_7 : memref<5888x1024xf32, #tpu.memory_space<hbm>>) offsets(%arg7 : memref<64xi32, #tpu.memory_space<vmem>>) semaphore(%arg9 : memref<!tpu.dma_semaphore, #tpu.memory_space<semaphore_mem>>)
    %dma_wait3A = arith.constant 0 : i32
    %dma_wait3A_8 = arith.constant 0 : i32
    %dma_wait3A_9 = tpu.memref_slice %arg5[%dma_wait3A, %dma_wait3A_8] : memref<5888x1024xf32, #tpu.memory_space<hbm>> -> memref<5888x1024xf32, #tpu.memory_space<hbm>>
    tpu.wait_indirect_dma semaphore(%arg9 : memref<!tpu.dma_semaphore, #tpu.memory_space<semaphore_mem>>) src(%arg8 : memref<64x1024xf32, #tpu.memory_space<vmem>>) dst(%dma_wait3A_9 : memref<5888x1024xf32, #tpu.memory_space<hbm>>)
    %dma_wait3A_10 = arith.constant 0 : i32
    %dma_wait3A_11 = arith.constant 0 : i32
    %dma_wait3A_12 = tpu.memref_slice %arg5[%dma_wait3A_10, %dma_wait3A_11] : memref<5888x1024xf32, #tpu.memory_space<hbm>> -> memref<5888x1024xf32, #tpu.memory_space<hbm>>
    tpu.wait_indirect_dma semaphore(%arg9 : memref<!tpu.dma_semaphore, #tpu.memory_space<semaphore_mem>>) src(%arg8 : memref<64x1024xf32, #tpu.memory_space<vmem>>) dst(%dma_wait3A_12 : memref<5888x1024xf32, #tpu.memory_space<hbm>>)
    return
  }
}

#map = affine_map<(d0, d1) -> (0, 0)>
#map1 = affine_map<(d0, d1) -> (0)>
module attributes {stable_mosaic.version = 14 : i64} {
  func.func @gather_k(%arg0: i32, %arg1: i32, %arg2: memref<5888x1024xf32, #tpu.memory_space<hbm>>, %arg3: memref<2048xi32, #tpu.memory_space<hbm>>, %arg4: memref<2048xi32, #tpu.memory_space<hbm>>, %arg5: memref<2048x1024xf32, #tpu.memory_space<hbm>>, %arg6: memref<2048x1024xf32, #tpu.memory_space<hbm>>, %arg7: memref<64xi32, #tpu.memory_space<vmem>>, %arg8: memref<64x1024xf32, #tpu.memory_space<vmem>>, %arg9: memref<!tpu.dma_semaphore, #tpu.memory_space<semaphore_mem>>) attributes {dimension_semantics = [#tpu.dimension_semantics<core_parallel>, #tpu.dimension_semantics<subcore_parallel>], iteration_bounds = array<i64: 2, 16>, scalar_prefetch = 0 : i64, scratch_operands = 3 : i64, tpu.core_type = #tpu.core_type<sc_vector_subcore>, window_params = [{transform_indices = #map}, {transform_indices = #map1}, {transform_indices = #map1}, {transform_indices = #map}, {transform_indices = #map}]} {
    %mul3A = arith.constant 2 : i32
    %mul3A_0 = arith.muli %arg1, %mul3A : i32
    %add3A = arith.addi %mul3A_0, %arg0 : i32
    %mul3A_1 = arith.constant 64 : i32
    %mul3A_2 = arith.muli %add3A, %mul3A_1 : i32
    "tpu.region"() ({
      %run_scoped3A = tpu.sem_alloc : memref<!tpu.dma_semaphore, #tpu.memory_space<semaphore_mem>>
      %dma_start3A_13 = tpu.memref_slice %arg3[%mul3A_2] : memref<2048xi32, #tpu.memory_space<hbm>> -> memref<64xi32, #tpu.memory_space<hbm>>
      %dma_start3A_14 = tpu.memref_slice %arg3[%mul3A_2] : memref<2048xi32, #tpu.memory_space<hbm>> -> memref<64xi32, #tpu.memory_space<hbm>>
      tpu.enqueue_dma source(%dma_start3A_14 : memref<64xi32, #tpu.memory_space<hbm>>) target(%arg7 : memref<64xi32, #tpu.memory_space<vmem>>) target_semaphore(%run_scoped3A : memref<!tpu.dma_semaphore, #tpu.memory_space<semaphore_mem>>)
      %dma_wait3A_15 = tpu.memref_slice %arg3[%mul3A_2] : memref<2048xi32, #tpu.memory_space<hbm>> -> memref<64xi32, #tpu.memory_space<hbm>>
      %dma_wait3A_16 = tpu.memref_slice %arg3[%mul3A_2] : memref<2048xi32, #tpu.memory_space<hbm>> -> memref<64xi32, #tpu.memory_space<hbm>>
      tpu.wait_dma2 semaphore(%run_scoped3A : memref<!tpu.dma_semaphore, #tpu.memory_space<semaphore_mem>>) src(%dma_wait3A_16 : memref<64xi32, #tpu.memory_space<hbm>>) dst(%arg7 : memref<64xi32, #tpu.memory_space<vmem>>)
      tpu.yield
    }) : () -> ()
    %dma_start3A = arith.constant 0 : i32
    %dma_start3A_3 = arith.constant 0 : i32
    %dma_start3A_4 = tpu.memref_slice %arg2[%dma_start3A, %dma_start3A_3] : memref<5888x1024xf32, #tpu.memory_space<hbm>> -> memref<5888x1024xf32, #tpu.memory_space<hbm>>
    tpu.enqueue_indirect_dma source(%dma_start3A_4 : memref<5888x1024xf32, #tpu.memory_space<hbm>>) target(%arg8 : memref<64x1024xf32, #tpu.memory_space<vmem>>) offsets(%arg7 : memref<64xi32, #tpu.memory_space<vmem>>) semaphore(%arg9 : memref<!tpu.dma_semaphore, #tpu.memory_space<semaphore_mem>>)
    %dma_wait3A = arith.constant 0 : i32
    %dma_wait3A_5 = arith.constant 0 : i32
    %dma_wait3A_6 = tpu.memref_slice %arg2[%dma_wait3A, %dma_wait3A_5] : memref<5888x1024xf32, #tpu.memory_space<hbm>> -> memref<5888x1024xf32, #tpu.memory_space<hbm>>
    tpu.wait_indirect_dma semaphore(%arg9 : memref<!tpu.dma_semaphore, #tpu.memory_space<semaphore_mem>>) src(%dma_wait3A_6 : memref<5888x1024xf32, #tpu.memory_space<hbm>>) dst(%arg8 : memref<64x1024xf32, #tpu.memory_space<vmem>>)
    "tpu.region"() ({
      %run_scoped3A = tpu.sem_alloc : memref<!tpu.dma_semaphore, #tpu.memory_space<semaphore_mem>>
      %dma_start3A_13 = arith.constant 0 : i32
      %dma_start3A_14 = tpu.memref_slice %arg5[%mul3A_2, %dma_start3A_13] : memref<2048x1024xf32, #tpu.memory_space<hbm>> -> memref<64x1024xf32, #tpu.memory_space<hbm>>
      %dma_start3A_15 = arith.constant 0 : i32
      %dma_start3A_16 = tpu.memref_slice %arg5[%mul3A_2, %dma_start3A_15] : memref<2048x1024xf32, #tpu.memory_space<hbm>> -> memref<64x1024xf32, #tpu.memory_space<hbm>>
      tpu.enqueue_dma source(%arg8 : memref<64x1024xf32, #tpu.memory_space<vmem>>) target(%dma_start3A_16 : memref<64x1024xf32, #tpu.memory_space<hbm>>) target_semaphore(%run_scoped3A : memref<!tpu.dma_semaphore, #tpu.memory_space<semaphore_mem>>)
      %dma_wait3A_17 = arith.constant 0 : i32
      %dma_wait3A_18 = tpu.memref_slice %arg5[%mul3A_2, %dma_wait3A_17] : memref<2048x1024xf32, #tpu.memory_space<hbm>> -> memref<64x1024xf32, #tpu.memory_space<hbm>>
      %dma_wait3A_19 = arith.constant 0 : i32
      %dma_wait3A_20 = tpu.memref_slice %arg5[%mul3A_2, %dma_wait3A_19] : memref<2048x1024xf32, #tpu.memory_space<hbm>> -> memref<64x1024xf32, #tpu.memory_space<hbm>>
      tpu.wait_dma2 semaphore(%run_scoped3A : memref<!tpu.dma_semaphore, #tpu.memory_space<semaphore_mem>>) src(%arg8 : memref<64x1024xf32, #tpu.memory_space<vmem>>) dst(%dma_wait3A_20 : memref<64x1024xf32, #tpu.memory_space<hbm>>)
      tpu.yield
    }) : () -> ()
    "tpu.region"() ({
      %run_scoped3A = tpu.sem_alloc : memref<!tpu.dma_semaphore, #tpu.memory_space<semaphore_mem>>
      %dma_start3A_13 = tpu.memref_slice %arg4[%mul3A_2] : memref<2048xi32, #tpu.memory_space<hbm>> -> memref<64xi32, #tpu.memory_space<hbm>>
      %dma_start3A_14 = tpu.memref_slice %arg4[%mul3A_2] : memref<2048xi32, #tpu.memory_space<hbm>> -> memref<64xi32, #tpu.memory_space<hbm>>
      tpu.enqueue_dma source(%dma_start3A_14 : memref<64xi32, #tpu.memory_space<hbm>>) target(%arg7 : memref<64xi32, #tpu.memory_space<vmem>>) target_semaphore(%run_scoped3A : memref<!tpu.dma_semaphore, #tpu.memory_space<semaphore_mem>>)
      %dma_wait3A_15 = tpu.memref_slice %arg4[%mul3A_2] : memref<2048xi32, #tpu.memory_space<hbm>> -> memref<64xi32, #tpu.memory_space<hbm>>
      %dma_wait3A_16 = tpu.memref_slice %arg4[%mul3A_2] : memref<2048xi32, #tpu.memory_space<hbm>> -> memref<64xi32, #tpu.memory_space<hbm>>
      tpu.wait_dma2 semaphore(%run_scoped3A : memref<!tpu.dma_semaphore, #tpu.memory_space<semaphore_mem>>) src(%dma_wait3A_16 : memref<64xi32, #tpu.memory_space<hbm>>) dst(%arg7 : memref<64xi32, #tpu.memory_space<vmem>>)
      tpu.yield
    }) : () -> ()
    %dma_start3A_7 = arith.constant 0 : i32
    %dma_start3A_8 = arith.constant 0 : i32
    %dma_start3A_9 = tpu.memref_slice %arg2[%dma_start3A_7, %dma_start3A_8] : memref<5888x1024xf32, #tpu.memory_space<hbm>> -> memref<5888x1024xf32, #tpu.memory_space<hbm>>
    tpu.enqueue_indirect_dma source(%dma_start3A_9 : memref<5888x1024xf32, #tpu.memory_space<hbm>>) target(%arg8 : memref<64x1024xf32, #tpu.memory_space<vmem>>) offsets(%arg7 : memref<64xi32, #tpu.memory_space<vmem>>) semaphore(%arg9 : memref<!tpu.dma_semaphore, #tpu.memory_space<semaphore_mem>>)
    %dma_wait3A_10 = arith.constant 0 : i32
    %dma_wait3A_11 = arith.constant 0 : i32
    %dma_wait3A_12 = tpu.memref_slice %arg2[%dma_wait3A_10, %dma_wait3A_11] : memref<5888x1024xf32, #tpu.memory_space<hbm>> -> memref<5888x1024xf32, #tpu.memory_space<hbm>>
    tpu.wait_indirect_dma semaphore(%arg9 : memref<!tpu.dma_semaphore, #tpu.memory_space<semaphore_mem>>) src(%dma_wait3A_12 : memref<5888x1024xf32, #tpu.memory_space<hbm>>) dst(%arg8 : memref<64x1024xf32, #tpu.memory_space<vmem>>)
    "tpu.region"() ({
      %run_scoped3A = tpu.sem_alloc : memref<!tpu.dma_semaphore, #tpu.memory_space<semaphore_mem>>
      %dma_start3A_13 = arith.constant 0 : i32
      %dma_start3A_14 = tpu.memref_slice %arg6[%mul3A_2, %dma_start3A_13] : memref<2048x1024xf32, #tpu.memory_space<hbm>> -> memref<64x1024xf32, #tpu.memory_space<hbm>>
      %dma_start3A_15 = arith.constant 0 : i32
      %dma_start3A_16 = tpu.memref_slice %arg6[%mul3A_2, %dma_start3A_15] : memref<2048x1024xf32, #tpu.memory_space<hbm>> -> memref<64x1024xf32, #tpu.memory_space<hbm>>
      tpu.enqueue_dma source(%arg8 : memref<64x1024xf32, #tpu.memory_space<vmem>>) target(%dma_start3A_16 : memref<64x1024xf32, #tpu.memory_space<hbm>>) target_semaphore(%run_scoped3A : memref<!tpu.dma_semaphore, #tpu.memory_space<semaphore_mem>>)
      %dma_wait3A_17 = arith.constant 0 : i32
      %dma_wait3A_18 = tpu.memref_slice %arg6[%mul3A_2, %dma_wait3A_17] : memref<2048x1024xf32, #tpu.memory_space<hbm>> -> memref<64x1024xf32, #tpu.memory_space<hbm>>
      %dma_wait3A_19 = arith.constant 0 : i32
      %dma_wait3A_20 = tpu.memref_slice %arg6[%mul3A_2, %dma_wait3A_19] : memref<2048x1024xf32, #tpu.memory_space<hbm>> -> memref<64x1024xf32, #tpu.memory_space<hbm>>
      tpu.wait_dma2 semaphore(%run_scoped3A : memref<!tpu.dma_semaphore, #tpu.memory_space<semaphore_mem>>) src(%arg8 : memref<64x1024xf32, #tpu.memory_space<vmem>>) dst(%dma_wait3A_20 : memref<64x1024xf32, #tpu.memory_space<hbm>>)
      tpu.yield
    }) : () -> ()
    return
  }
}

module attributes {stable_mosaic.version = 14 : i64} {
  func.func @_combine_body(%arg0: i32, %arg1: memref<512x1024xf32, #tpu.memory_space<vmem>>, %arg2: memref<512x1024xf32, #tpu.memory_space<vmem>>, %arg3: memref<512x2xf32, #tpu.memory_space<vmem>>, %arg4: memref<512x1024xf32, #tpu.memory_space<vmem>>) attributes {dimension_semantics = [#tpu.dimension_semantics<arbitrary>], iteration_bounds = array<i64: 4>, scalar_prefetch = 0 : i64, scratch_operands = 0 : i64, tpu.core_type = #tpu.core_type<tc>, window_params = [{transform_indices = @transform_0, window_bounds = array<i64: 512, 1024>}, {transform_indices = @transform_1, window_bounds = array<i64: 512, 1024>}, {transform_indices = @transform_2, window_bounds = array<i64: 512, 2>}, {transform_indices = @transform_3, window_bounds = array<i64: 512, 1024>}]} {
    %get3A = arith.constant 0 : index
    %get3A_0 = arith.constant 0 : index
    %get3A_1 = vector.load %arg3[%get3A, %get3A_0] : memref<512x2xf32, #tpu.memory_space<vmem>>, vector<512x2xf32>
    %get3A_2 = arith.constant 0 : index
    %get3A_3 = arith.constant 0 : index
    %get3A_4 = vector.load %arg1[%get3A_2, %get3A_3] : memref<512x1024xf32, #tpu.memory_space<vmem>>, vector<512x1024xf32>
    %slice3A = vector.extract_strided_slice %get3A_1 {offsets = [0, 0], sizes = [512, 1], strides = [1, 1]} : vector<512x2xf32> to vector<512x1xf32>
    %mul3A = vector.broadcast %slice3A : vector<512x1xf32> to vector<512x1024xf32>
    %mul3A_5 = arith.mulf %get3A_4, %mul3A : vector<512x1024xf32>
    %get3A_6 = arith.constant 0 : index
    %get3A_7 = arith.constant 0 : index
    %get3A_8 = vector.load %arg2[%get3A_6, %get3A_7] : memref<512x1024xf32, #tpu.memory_space<vmem>>, vector<512x1024xf32>
    %slice3A_9 = vector.extract_strided_slice %get3A_1 {offsets = [0, 1], sizes = [512, 1], strides = [1, 1]} : vector<512x2xf32> to vector<512x1xf32>
    %mul3A_10 = vector.broadcast %slice3A_9 : vector<512x1xf32> to vector<512x1024xf32>
    %mul3A_11 = arith.mulf %get3A_8, %mul3A_10 : vector<512x1024xf32>
    %add3A = arith.addf %mul3A_5, %mul3A_11 : vector<512x1024xf32>
    %swap3A = arith.constant 0 : index
    %swap3A_12 = arith.constant 0 : index
    %swap3A_13 = vector.load %arg4[%swap3A, %swap3A_12] : memref<512x1024xf32, #tpu.memory_space<vmem>>, vector<512x1024xf32>
    tpu.vector_store %arg4[%swap3A, %swap3A_12], %add3A {strides = array<i32>} : memref<512x1024xf32, #tpu.memory_space<vmem>>, vector<512x1024xf32>,
    return
  }
  func.func @transform_0(%arg0: i32) -> (i32, i32) {
    %c0_i32 = arith.constant 0 : i32
    %c0_i32_0 = arith.constant 0 : i32
    return %arg0, %c0_i32 : i32, i32
  }
  func.func @transform_1(%arg0: i32) -> (i32, i32) {
    %c0_i32 = arith.constant 0 : i32
    %c0_i32_0 = arith.constant 0 : i32
    return %arg0, %c0_i32 : i32, i32
  }
  func.func @transform_2(%arg0: i32) -> (i32, i32) {
    %c0_i32 = arith.constant 0 : i32
    %c0_i32_0 = arith.constant 0 : i32
    return %arg0, %c0_i32 : i32, i32
  }
  func.func @transform_3(%arg0: i32) -> (i32, i32) {
    %c0_i32 = arith.constant 0 : i32
    %c0_i32_0 = arith.constant 0 : i32
    return %arg0, %c0_i32 : i32, i32
  }
}

module attributes {stable_mosaic.version = 14 : i64} {
  func.func @_router_body(%arg0: memref<2048x1024xf32, #tpu.memory_space<vmem>>, %arg1: memref<8x1024xf32, #tpu.memory_space<vmem>>, %arg2: memref<2048x8xf32, #tpu.memory_space<vmem>>, %arg3: memref<2048x2xf32, #tpu.memory_space<vmem>>, %arg4: memref<2048x2xi32, #tpu.memory_space<vmem>>, %arg5: memref<8x128xi32, #tpu.memory_space<vmem>>) attributes {dimension_semantics = [], scalar_prefetch = 0 : i64, scratch_operands = 0 : i64, tpu.core_type = #tpu.core_type<tc>} {
    %get3A = arith.constant 0 : index
    %get3A_0 = arith.constant 0 : index
    %get3A_1 = vector.load %arg0[%get3A, %get3A_0] : memref<2048x1024xf32, #tpu.memory_space<vmem>>, vector<2048x1024xf32>
    %get3A_2 = arith.constant 0 : index
    %get3A_3 = arith.constant 0 : index
    %get3A_4 = vector.load %arg1[%get3A_2, %get3A_3] : memref<8x1024xf32, #tpu.memory_space<vmem>>, vector<8x1024xf32>
    %dot_general3A = arith.constant dense<0.000000e+00> : vector<2048x8xf32>
    %dot_general3A_5 = tpu.matmul %get3A_1, %get3A_4, %dot_general3A {dimension_numbers = #tpu.dot_dimension_numbers<[1], [1], [0], [0], [0, 0, 1, 0], [], []>, transpose_lhs_hint = false} : vector<2048x1024xf32>, vector<8x1024xf32>, vector<2048x8xf32> -> vector<2048x8xf32>
    %swap3A = arith.constant 0 : index
    %swap3A_6 = arith.constant 0 : index
    %swap3A_7 = vector.load %arg2[%swap3A, %swap3A_6] : memref<2048x8xf32, #tpu.memory_space<vmem>>, vector<2048x8xf32>
    tpu.vector_store %arg2[%swap3A, %swap3A_6], %dot_general3A_5 {strides = array<i32>} : memref<2048x8xf32, #tpu.memory_space<vmem>>, vector<2048x8xf32>,
    %reduce_max3A = arith.constant dense<0xFF800000> : vector<2048xf32>
    %reduce_max3A_8 = vector.multi_reduction <maximumf>, %dot_general3A_5, %reduce_max3A [1] : vector<2048x8xf32> to vector<2048xf32>
    %max3A = arith.constant 0xFF800000 : f32
    %max3A_9 = vector.broadcast %max3A : f32 to vector<2048xf32>
    %max3A_10 = arith.maximumf %max3A_9, %reduce_max3A_8 : vector<2048xf32>
    %broadcast_in_dim3A = vector.shape_cast %max3A_10 : vector<2048xf32> to vector<2048x1xf32>
    %sub3A = vector.broadcast %broadcast_in_dim3A : vector<2048x1xf32> to vector<2048x8xf32>
    %sub3A_11 = arith.subf %dot_general3A_5, %sub3A : vector<2048x8xf32>
    %exp3A = math.exp %sub3A_11 : vector<2048x8xf32>
    %reduce_sum3A = arith.constant dense<0.000000e+00> : vector<2048xf32>
    %reduce_sum3A_12 = vector.multi_reduction <add>, %exp3A, %reduce_sum3A [1] : vector<2048x8xf32> to vector<2048xf32>
    %broadcast_in_dim3A_13 = vector.shape_cast %reduce_sum3A_12 : vector<2048xf32> to vector<2048x1xf32>
    %div3A = vector.broadcast %broadcast_in_dim3A_13 : vector<2048x1xf32> to vector<2048x8xf32>
    %div3A_14 = arith.divf %exp3A, %div3A : vector<2048x8xf32>
    %iota3A = tpu.iota {dimensions = array<i32: 1>} : vector<2048x8xi32>
    %reduce_max3A_15 = arith.constant dense<0xFF800000> : vector<2048xf32>
    %reduce_max3A_16 = vector.multi_reduction <maximumf>, %div3A_14, %reduce_max3A_15 [1] : vector<2048x8xf32> to vector<2048xf32>
    %broadcast_in_dim3A_17 = vector.shape_cast %reduce_max3A_16 : vector<2048xf32> to vector<2048x1xf32>
    %eq3A = vector.broadcast %broadcast_in_dim3A_17 : vector<2048x1xf32> to vector<2048x8xf32>
    %eq3A_18 = arith.cmpf oeq, %div3A_14, %eq3A : vector<2048x8xf32>
    %jit3A = arith.constant 8 : i32
    %broadcast_in_dim3A_19 = vector.broadcast %jit3A : i32 to vector<2048x8xi32>
    %select_n3A = arith.select %eq3A_18, %iota3A, %broadcast_in_dim3A_19 : vector<2048x8xi1>, vector<2048x8xi32>
    %reduce_min3A = arith.constant dense<2147483647> : vector<2048xi32>
    %reduce_min3A_20 = vector.multi_reduction <minsi>, %select_n3A, %reduce_min3A [1] : vector<2048x8xi32> to vector<2048xi32>
    %broadcast_in_dim3A_21 = vector.shape_cast %reduce_min3A_20 : vector<2048xi32> to vector<2048x1xi32>
    %eq3A_22 = vector.broadcast %broadcast_in_dim3A_21 : vector<2048x1xi32> to vector<2048x8xi32>
    %eq3A_23 = arith.cmpi eq, %iota3A, %eq3A_22 : vector<2048x8xi32>
    %jit3A_24 = arith.constant 0xFF800000 : f32
    %broadcast_in_dim3A_25 = vector.broadcast %jit3A_24 : f32 to vector<2048x8xf32>
    %select_n3A_26 = arith.select %eq3A_23, %broadcast_in_dim3A_25, %div3A_14 : vector<2048x8xi1>, vector<2048x8xf32>
    %reduce_max3A_27 = arith.constant dense<0xFF800000> : vector<2048xf32>
    %reduce_max3A_28 = vector.multi_reduction <maximumf>, %select_n3A_26, %reduce_max3A_27 [1] : vector<2048x8xf32> to vector<2048xf32>
    %broadcast_in_dim3A_29 = vector.shape_cast %reduce_max3A_28 : vector<2048xf32> to vector<2048x1xf32>
    %eq3A_30 = vector.broadcast %broadcast_in_dim3A_29 : vector<2048x1xf32> to vector<2048x8xf32>
    %eq3A_31 = arith.cmpf oeq, %select_n3A_26, %eq3A_30 : vector<2048x8xf32>
    %jit3A_32 = arith.constant 8 : i32
    %broadcast_in_dim3A_33 = vector.broadcast %jit3A_32 : i32 to vector<2048x8xi32>
    %select_n3A_34 = arith.select %eq3A_31, %iota3A, %broadcast_in_dim3A_33 : vector<2048x8xi1>, vector<2048x8xi32>
    %reduce_min3A_35 = arith.constant dense<2147483647> : vector<2048xi32>
    %reduce_min3A_36 = vector.multi_reduction <minsi>, %select_n3A_34, %reduce_min3A_35 [1] : vector<2048x8xi32> to vector<2048xi32>
    %broadcast_in_dim3A_37 = vector.shape_cast %reduce_min3A_36 : vector<2048xi32> to vector<2048x1xi32>
    %add3A = arith.addf %broadcast_in_dim3A_17, %broadcast_in_dim3A_29 : vector<2048x1xf32>
    %div3A_38 = arith.divf %broadcast_in_dim3A_17, %add3A : vector<2048x1xf32>
    %div3A_39 = arith.divf %broadcast_in_dim3A_29, %add3A : vector<2048x1xf32>
    %concatenate3A = tpu.concatenate %div3A_38, %div3A_39 in 1 : vector<2048x1xf32>, vector<2048x1xf32> -> vector<2048x2xf32>
    %swap3A_40 = arith.constant 0 : index
    %swap3A_41 = arith.constant 0 : index
    %swap3A_42 = vector.load %arg3[%swap3A_40, %swap3A_41] : memref<2048x2xf32, #tpu.memory_space<vmem>>, vector<2048x2xf32>
    tpu.vector_store %arg3[%swap3A_40, %swap3A_41], %concatenate3A {strides = array<i32>} : memref<2048x2xf32, #tpu.memory_space<vmem>>, vector<2048x2xf32>,
    %eq3A_43 = vector.broadcast %broadcast_in_dim3A_21 : vector<2048x1xi32> to vector<2048x8xi32>
    %eq3A_44 = arith.cmpi eq, %iota3A, %eq3A_43 : vector<2048x8xi32>
    %convert_element_type3A = arith.extui %eq3A_44 : vector<2048x8xi1> to vector<2048x8xi32>
    %convert_element_type3A_45 = arith.sitofp %convert_element_type3A : vector<2048x8xi32> to vector<2048x8xf32>
    %eq3A_46 = vector.broadcast %broadcast_in_dim3A_37 : vector<2048x1xi32> to vector<2048x8xi32>
    %eq3A_47 = arith.cmpi eq, %iota3A, %eq3A_46 : vector<2048x8xi32>
    %convert_element_type3A_48 = arith.extui %eq3A_47 : vector<2048x8xi1> to vector<2048x8xi32>
    %convert_element_type3A_49 = arith.sitofp %convert_element_type3A_48 : vector<2048x8xi32> to vector<2048x8xf32>
    %reduce_sum3A_50 = arith.constant dense<0.000000e+00> : vector<8xf32>
    %reduce_sum3A_51 = vector.multi_reduction <add>, %convert_element_type3A_45, %reduce_sum3A_50 [0] : vector<2048x8xf32> to vector<8xf32>
    %broadcast_in_dim3A_52 = vector.shape_cast %reduce_sum3A_51 : vector<8xf32> to vector<1x8xf32>
    %reduce_sum3A_53 = arith.constant dense<0.000000e+00> : vector<8xf32>
    %reduce_sum3A_54 = vector.multi_reduction <add>, %convert_element_type3A_49, %reduce_sum3A_53 [0] : vector<2048x8xf32> to vector<8xf32>
    %broadcast_in_dim3A_55 = vector.shape_cast %reduce_sum3A_54 : vector<8xf32> to vector<1x8xf32>
    %add3A_56 = arith.addf %broadcast_in_dim3A_52, %broadcast_in_dim3A_55 : vector<1x8xf32>
    %div3A_57 = arith.constant 2.560000e+02 : f32
    %div3A_58 = vector.broadcast %div3A_57 : f32 to vector<1x8xf32>
    %div3A_59 = arith.divf %add3A_56, %div3A_58 : vector<1x8xf32>
    %ceil3A = math.ceil %div3A_59 : vector<1x8xf32>
    %transpose3A = tpu.transpose %ceil3A, [1, 0] : vector<1x8xf32> -> vector<8x1xf32>
    %iota3A_60 = tpu.iota {dimensions = array<i32: 0>} : vector<8x8xi32>
    %iota3A_61 = tpu.iota {dimensions = array<i32: 1>} : vector<8x8xi32>
    %lt3A = arith.cmpi slt, %iota3A_60, %iota3A_61 : vector<8x8xi32>
    %jit3A_62 = arith.constant 0.000000e+00 : f32
    %broadcast_in_dim3A_63 = vector.shape_cast %transpose3A : vector<8x1xf32> to vector<8x1xf32>
    %broadcast_in_dim3A_64 = vector.broadcast %broadcast_in_dim3A_63 : vector<8x1xf32> to vector<8x8xf32>
    %broadcast_in_dim3A_65 = vector.broadcast %jit3A_62 : f32 to vector<8x8xf32>
    %select_n3A_66 = arith.select %lt3A, %broadcast_in_dim3A_64, %broadcast_in_dim3A_65 : vector<8x8xi1>, vector<8x8xf32>
    %reduce_sum3A_67 = arith.constant dense<0.000000e+00> : vector<8xf32>
    %reduce_sum3A_68 = vector.multi_reduction <add>, %select_n3A_66, %reduce_sum3A_67 [0] : vector<8x8xf32> to vector<8xf32>
    %broadcast_in_dim3A_69 = vector.shape_cast %reduce_sum3A_68 : vector<8xf32> to vector<1x8xf32>
    %mul3A = arith.constant 2.560000e+02 : f32
    %mul3A_70 = vector.broadcast %mul3A : f32 to vector<1x8xf32>
    %mul3A_71 = arith.mulf %broadcast_in_dim3A_69, %mul3A_70 : vector<1x8xf32>
    %iota3A_72 = tpu.iota {dimensions = array<i32: 0>} : vector<2048x8xi32>
    %ge3A = arith.constant 1 : i32
    %ge3A_73 = vector.broadcast %ge3A : i32 to vector<2048x8xi32>
    %ge3A_74 = arith.cmpi sge, %iota3A_72, %ge3A_73 : vector<2048x8xi32>
    %roll3A = arith.constant 1 : i32
    %roll3A_75 = tpu.dynamic_rotate %convert_element_type3A_45 by %roll3A dim 0 : vector<2048x8xf32>, i32 -> vector<2048x8xf32>
    %jit3A_76 = arith.constant 0.000000e+00 : f32
    %broadcast_in_dim3A_77 = vector.broadcast %jit3A_76 : f32 to vector<2048x8xf32>
    %select_n3A_78 = arith.select %ge3A_74, %roll3A_75, %broadcast_in_dim3A_77 : vector<2048x8xi1>, vector<2048x8xf32>
    %add3A_79 = arith.addf %convert_element_type3A_45, %select_n3A_78 : vector<2048x8xf32>
    %ge3A_80 = arith.constant 2 : i32
    %ge3A_81 = vector.broadcast %ge3A_80 : i32 to vector<2048x8xi32>
    %ge3A_82 = arith.cmpi sge, %iota3A_72, %ge3A_81 : vector<2048x8xi32>
    %roll3A_83 = arith.constant 2 : i32
    %roll3A_84 = tpu.dynamic_rotate %add3A_79 by %roll3A_83 dim 0 : vector<2048x8xf32>, i32 -> vector<2048x8xf32>
    %jit3A_85 = arith.constant 0.000000e+00 : f32
    %broadcast_in_dim3A_86 = vector.broadcast %jit3A_85 : f32 to vector<2048x8xf32>
    %select_n3A_87 = arith.select %ge3A_82, %roll3A_84, %broadcast_in_dim3A_86 : vector<2048x8xi1>, vector<2048x8xf32>
    %add3A_88 = arith.addf %add3A_79, %select_n3A_87 : vector<2048x8xf32>
    %ge3A_89 = arith.constant 4 : i32
    %ge3A_90 = vector.broadcast %ge3A_89 : i32 to vector<2048x8xi32>
    %ge3A_91 = arith.cmpi sge, %iota3A_72, %ge3A_90 : vector<2048x8xi32>
    %roll3A_92 = arith.constant 4 : i32
    %roll3A_93 = tpu.dynamic_rotate %add3A_88 by %roll3A_92 dim 0 : vector<2048x8xf32>, i32 -> vector<2048x8xf32>
    %jit3A_94 = arith.constant 0.000000e+00 : f32
    %broadcast_in_dim3A_95 = vector.broadcast %jit3A_94 : f32 to vector<2048x8xf32>
    %select_n3A_96 = arith.select %ge3A_91, %roll3A_93, %broadcast_in_dim3A_95 : vector<2048x8xi1>, vector<2048x8xf32>
    %add3A_97 = arith.addf %add3A_88, %select_n3A_96 : vector<2048x8xf32>
    %ge3A_98 = arith.constant 8 : i32
    %ge3A_99 = vector.broadcast %ge3A_98 : i32 to vector<2048x8xi32>
    %ge3A_100 = arith.cmpi sge, %iota3A_72, %ge3A_99 : vector<2048x8xi32>
    %roll3A_101 = arith.constant 8 : i32
    %roll3A_102 = tpu.dynamic_rotate %add3A_97 by %roll3A_101 dim 0 : vector<2048x8xf32>, i32 -> vector<2048x8xf32>
    %jit3A_103 = arith.constant 0.000000e+00 : f32
    %broadcast_in_dim3A_104 = vector.broadcast %jit3A_103 : f32 to vector<2048x8xf32>
    %select_n3A_105 = arith.select %ge3A_100, %roll3A_102, %broadcast_in_dim3A_104 : vector<2048x8xi1>, vector<2048x8xf32>
    %add3A_106 = arith.addf %add3A_97, %select_n3A_105 : vector<2048x8xf32>
    %ge3A_107 = arith.constant 16 : i32
    %ge3A_108 = vector.broadcast %ge3A_107 : i32 to vector<2048x8xi32>
    %ge3A_109 = arith.cmpi sge, %iota3A_72, %ge3A_108 : vector<2048x8xi32>
    %roll3A_110 = arith.constant 16 : i32
    %roll3A_111 = tpu.dynamic_rotate %add3A_106 by %roll3A_110 dim 0 : vector<2048x8xf32>, i32 -> vector<2048x8xf32>
    %jit3A_112 = arith.constant 0.000000e+00 : f32
    %broadcast_in_dim3A_113 = vector.broadcast %jit3A_112 : f32 to vector<2048x8xf32>
    %select_n3A_114 = arith.select %ge3A_109, %roll3A_111, %broadcast_in_dim3A_113 : vector<2048x8xi1>, vector<2048x8xf32>
    %add3A_115 = arith.addf %add3A_106, %select_n3A_114 : vector<2048x8xf32>
    %ge3A_116 = arith.constant 32 : i32
    %ge3A_117 = vector.broadcast %ge3A_116 : i32 to vector<2048x8xi32>
    %ge3A_118 = arith.cmpi sge, %iota3A_72, %ge3A_117 : vector<2048x8xi32>
    %roll3A_119 = arith.constant 32 : i32
    %roll3A_120 = tpu.dynamic_rotate %add3A_115 by %roll3A_119 dim 0 : vector<2048x8xf32>, i32 -> vector<2048x8xf32>
    %jit3A_121 = arith.constant 0.000000e+00 : f32
    %broadcast_in_dim3A_122 = vector.broadcast %jit3A_121 : f32 to vector<2048x8xf32>
    %select_n3A_123 = arith.select %ge3A_118, %roll3A_120, %broadcast_in_dim3A_122 : vector<2048x8xi1>, vector<2048x8xf32>
    %add3A_124 = arith.addf %add3A_115, %select_n3A_123 : vector<2048x8xf32>
    %ge3A_125 = arith.constant 64 : i32
    %ge3A_126 = vector.broadcast %ge3A_125 : i32 to vector<2048x8xi32>
    %ge3A_127 = arith.cmpi sge, %iota3A_72, %ge3A_126 : vector<2048x8xi32>
    %roll3A_128 = arith.constant 64 : i32
    %roll3A_129 = tpu.dynamic_rotate %add3A_124 by %roll3A_128 dim 0 : vector<2048x8xf32>, i32 -> vector<2048x8xf32>
    %jit3A_130 = arith.constant 0.000000e+00 : f32
    %broadcast_in_dim3A_131 = vector.broadcast %jit3A_130 : f32 to vector<2048x8xf32>
    %select_n3A_132 = arith.select %ge3A_127, %roll3A_129, %broadcast_in_dim3A_131 : vector<2048x8xi1>, vector<2048x8xf32>
    %add3A_133 = arith.addf %add3A_124, %select_n3A_132 : vector<2048x8xf32>
    %ge3A_134 = arith.constant 128 : i32
    %ge3A_135 = vector.broadcast %ge3A_134 : i32 to vector<2048x8xi32>
    %ge3A_136 = arith.cmpi sge, %iota3A_72, %ge3A_135 : vector<2048x8xi32>
    %roll3A_137 = arith.constant 128 : i32
    %roll3A_138 = tpu.dynamic_rotate %add3A_133 by %roll3A_137 dim 0 : vector<2048x8xf32>, i32 -> vector<2048x8xf32>
    %jit3A_139 = arith.constant 0.000000e+00 : f32
    %broadcast_in_dim3A_140 = vector.broadcast %jit3A_139 : f32 to vector<2048x8xf32>
    %select_n3A_141 = arith.select %ge3A_136, %roll3A_138, %broadcast_in_dim3A_140 : vector<2048x8xi1>, vector<2048x8xf32>
    %add3A_142 = arith.addf %add3A_133, %select_n3A_141 : vector<2048x8xf32>
    %ge3A_143 = arith.constant 256 : i32
    %ge3A_144 = vector.broadcast %ge3A_143 : i32 to vector<2048x8xi32>
    %ge3A_145 = arith.cmpi sge, %iota3A_72, %ge3A_144 : vector<2048x8xi32>
    %roll3A_146 = arith.constant 256 : i32
    %roll3A_147 = tpu.dynamic_rotate %add3A_142 by %roll3A_146 dim 0 : vector<2048x8xf32>, i32 -> vector<2048x8xf32>
    %jit3A_148 = arith.constant 0.000000e+00 : f32
    %broadcast_in_dim3A_149 = vector.broadcast %jit3A_148 : f32 to vector<2048x8xf32>
    %select_n3A_150 = arith.select %ge3A_145, %roll3A_147, %broadcast_in_dim3A_149 : vector<2048x8xi1>, vector<2048x8xf32>
    %add3A_151 = arith.addf %add3A_142, %select_n3A_150 : vector<2048x8xf32>
    %ge3A_152 = arith.constant 512 : i32
    %ge3A_153 = vector.broadcast %ge3A_152 : i32 to vector<2048x8xi32>
    %ge3A_154 = arith.cmpi sge, %iota3A_72, %ge3A_153 : vector<2048x8xi32>
    %roll3A_155 = arith.constant 512 : i32
    %roll3A_156 = tpu.dynamic_rotate %add3A_151 by %roll3A_155 dim 0 : vector<2048x8xf32>, i32 -> vector<2048x8xf32>
    %jit3A_157 = arith.constant 0.000000e+00 : f32
    %broadcast_in_dim3A_158 = vector.broadcast %jit3A_157 : f32 to vector<2048x8xf32>
    %select_n3A_159 = arith.select %ge3A_154, %roll3A_156, %broadcast_in_dim3A_158 : vector<2048x8xi1>, vector<2048x8xf32>
    %add3A_160 = arith.addf %add3A_151, %select_n3A_159 : vector<2048x8xf32>
    %ge3A_161 = arith.constant 1024 : i32
    %ge3A_162 = vector.broadcast %ge3A_161 : i32 to vector<2048x8xi32>
    %ge3A_163 = arith.cmpi sge, %iota3A_72, %ge3A_162 : vector<2048x8xi32>
    %roll3A_164 = arith.constant 1024 : i32
    %roll3A_165 = tpu.dynamic_rotate %add3A_160 by %roll3A_164 dim 0 : vector<2048x8xf32>, i32 -> vector<2048x8xf32>
    %jit3A_166 = arith.constant 0.000000e+00 : f32
    %broadcast_in_dim3A_167 = vector.broadcast %jit3A_166 : f32 to vector<2048x8xf32>
    %select_n3A_168 = arith.select %ge3A_163, %roll3A_165, %broadcast_in_dim3A_167 : vector<2048x8xi1>, vector<2048x8xf32>
    %add3A_169 = arith.addf %add3A_160, %select_n3A_168 : vector<2048x8xf32>
    %sub3A_170 = arith.subf %add3A_169, %convert_element_type3A_45 : vector<2048x8xf32>
    %iota3A_171 = tpu.iota {dimensions = array<i32: 0>} : vector<2048x8xi32>
    %ge3A_172 = arith.constant 1 : i32
    %ge3A_173 = vector.broadcast %ge3A_172 : i32 to vector<2048x8xi32>
    %ge3A_174 = arith.cmpi sge, %iota3A_171, %ge3A_173 : vector<2048x8xi32>
    %roll3A_175 = arith.constant 1 : i32
    %roll3A_176 = tpu.dynamic_rotate %convert_element_type3A_49 by %roll3A_175 dim 0 : vector<2048x8xf32>, i32 -> vector<2048x8xf32>
    %jit3A_177 = arith.constant 0.000000e+00 : f32
    %broadcast_in_dim3A_178 = vector.broadcast %jit3A_177 : f32 to vector<2048x8xf32>
    %select_n3A_179 = arith.select %ge3A_174, %roll3A_176, %broadcast_in_dim3A_178 : vector<2048x8xi1>, vector<2048x8xf32>
    %add3A_180 = arith.addf %convert_element_type3A_49, %select_n3A_179 : vector<2048x8xf32>
    %ge3A_181 = arith.constant 2 : i32
    %ge3A_182 = vector.broadcast %ge3A_181 : i32 to vector<2048x8xi32>
    %ge3A_183 = arith.cmpi sge, %iota3A_171, %ge3A_182 : vector<2048x8xi32>
    %roll3A_184 = arith.constant 2 : i32
    %roll3A_185 = tpu.dynamic_rotate %add3A_180 by %roll3A_184 dim 0 : vector<2048x8xf32>, i32 -> vector<2048x8xf32>
    %jit3A_186 = arith.constant 0.000000e+00 : f32
    %broadcast_in_dim3A_187 = vector.broadcast %jit3A_186 : f32 to vector<2048x8xf32>
    %select_n3A_188 = arith.select %ge3A_183, %roll3A_185, %broadcast_in_dim3A_187 : vector<2048x8xi1>, vector<2048x8xf32>
    %add3A_189 = arith.addf %add3A_180, %select_n3A_188 : vector<2048x8xf32>
    %ge3A_190 = arith.constant 4 : i32
    %ge3A_191 = vector.broadcast %ge3A_190 : i32 to vector<2048x8xi32>
    %ge3A_192 = arith.cmpi sge, %iota3A_171, %ge3A_191 : vector<2048x8xi32>
    %roll3A_193 = arith.constant 4 : i32
    %roll3A_194 = tpu.dynamic_rotate %add3A_189 by %roll3A_193 dim 0 : vector<2048x8xf32>, i32 -> vector<2048x8xf32>
    %jit3A_195 = arith.constant 0.000000e+00 : f32
    %broadcast_in_dim3A_196 = vector.broadcast %jit3A_195 : f32 to vector<2048x8xf32>
    %select_n3A_197 = arith.select %ge3A_192, %roll3A_194, %broadcast_in_dim3A_196 : vector<2048x8xi1>, vector<2048x8xf32>
    %add3A_198 = arith.addf %add3A_189, %select_n3A_197 : vector<2048x8xf32>
    %ge3A_199 = arith.constant 8 : i32
    %ge3A_200 = vector.broadcast %ge3A_199 : i32 to vector<2048x8xi32>
    %ge3A_201 = arith.cmpi sge, %iota3A_171, %ge3A_200 : vector<2048x8xi32>
    %roll3A_202 = arith.constant 8 : i32
    %roll3A_203 = tpu.dynamic_rotate %add3A_198 by %roll3A_202 dim 0 : vector<2048x8xf32>, i32 -> vector<2048x8xf32>
    %jit3A_204 = arith.constant 0.000000e+00 : f32
    %broadcast_in_dim3A_205 = vector.broadcast %jit3A_204 : f32 to vector<2048x8xf32>
    %select_n3A_206 = arith.select %ge3A_201, %roll3A_203, %broadcast_in_dim3A_205 : vector<2048x8xi1>, vector<2048x8xf32>
    %add3A_207 = arith.addf %add3A_198, %select_n3A_206 : vector<2048x8xf32>
    %ge3A_208 = arith.constant 16 : i32
    %ge3A_209 = vector.broadcast %ge3A_208 : i32 to vector<2048x8xi32>
    %ge3A_210 = arith.cmpi sge, %iota3A_171, %ge3A_209 : vector<2048x8xi32>
    %roll3A_211 = arith.constant 16 : i32
    %roll3A_212 = tpu.dynamic_rotate %add3A_207 by %roll3A_211 dim 0 : vector<2048x8xf32>, i32 -> vector<2048x8xf32>
    %jit3A_213 = arith.constant 0.000000e+00 : f32
    %broadcast_in_dim3A_214 = vector.broadcast %jit3A_213 : f32 to vector<2048x8xf32>
    %select_n3A_215 = arith.select %ge3A_210, %roll3A_212, %broadcast_in_dim3A_214 : vector<2048x8xi1>, vector<2048x8xf32>
    %add3A_216 = arith.addf %add3A_207, %select_n3A_215 : vector<2048x8xf32>
    %ge3A_217 = arith.constant 32 : i32
    %ge3A_218 = vector.broadcast %ge3A_217 : i32 to vector<2048x8xi32>
    %ge3A_219 = arith.cmpi sge, %iota3A_171, %ge3A_218 : vector<2048x8xi32>
    %roll3A_220 = arith.constant 32 : i32
    %roll3A_221 = tpu.dynamic_rotate %add3A_216 by %roll3A_220 dim 0 : vector<2048x8xf32>, i32 -> vector<2048x8xf32>
    %jit3A_222 = arith.constant 0.000000e+00 : f32
    %broadcast_in_dim3A_223 = vector.broadcast %jit3A_222 : f32 to vector<2048x8xf32>
    %select_n3A_224 = arith.select %ge3A_219, %roll3A_221, %broadcast_in_dim3A_223 : vector<2048x8xi1>, vector<2048x8xf32>
    %add3A_225 = arith.addf %add3A_216, %select_n3A_224 : vector<2048x8xf32>
    %ge3A_226 = arith.constant 64 : i32
    %ge3A_227 = vector.broadcast %ge3A_226 : i32 to vector<2048x8xi32>
    %ge3A_228 = arith.cmpi sge, %iota3A_171, %ge3A_227 : vector<2048x8xi32>
    %roll3A_229 = arith.constant 64 : i32
    %roll3A_230 = tpu.dynamic_rotate %add3A_225 by %roll3A_229 dim 0 : vector<2048x8xf32>, i32 -> vector<2048x8xf32>
    %jit3A_231 = arith.constant 0.000000e+00 : f32
    %broadcast_in_dim3A_232 = vector.broadcast %jit3A_231 : f32 to vector<2048x8xf32>
    %select_n3A_233 = arith.select %ge3A_228, %roll3A_230, %broadcast_in_dim3A_232 : vector<2048x8xi1>, vector<2048x8xf32>
    %add3A_234 = arith.addf %add3A_225, %select_n3A_233 : vector<2048x8xf32>
    %ge3A_235 = arith.constant 128 : i32
    %ge3A_236 = vector.broadcast %ge3A_235 : i32 to vector<2048x8xi32>
    %ge3A_237 = arith.cmpi sge, %iota3A_171, %ge3A_236 : vector<2048x8xi32>
    %roll3A_238 = arith.constant 128 : i32
    %roll3A_239 = tpu.dynamic_rotate %add3A_234 by %roll3A_238 dim 0 : vector<2048x8xf32>, i32 -> vector<2048x8xf32>
    %jit3A_240 = arith.constant 0.000000e+00 : f32
    %broadcast_in_dim3A_241 = vector.broadcast %jit3A_240 : f32 to vector<2048x8xf32>
    %select_n3A_242 = arith.select %ge3A_237, %roll3A_239, %broadcast_in_dim3A_241 : vector<2048x8xi1>, vector<2048x8xf32>
    %add3A_243 = arith.addf %add3A_234, %select_n3A_242 : vector<2048x8xf32>
    %ge3A_244 = arith.constant 256 : i32
    %ge3A_245 = vector.broadcast %ge3A_244 : i32 to vector<2048x8xi32>
    %ge3A_246 = arith.cmpi sge, %iota3A_171, %ge3A_245 : vector<2048x8xi32>
    %roll3A_247 = arith.constant 256 : i32
    %roll3A_248 = tpu.dynamic_rotate %add3A_243 by %roll3A_247 dim 0 : vector<2048x8xf32>, i32 -> vector<2048x8xf32>
    %jit3A_249 = arith.constant 0.000000e+00 : f32
    %broadcast_in_dim3A_250 = vector.broadcast %jit3A_249 : f32 to vector<2048x8xf32>
    %select_n3A_251 = arith.select %ge3A_246, %roll3A_248, %broadcast_in_dim3A_250 : vector<2048x8xi1>, vector<2048x8xf32>
    %add3A_252 = arith.addf %add3A_243, %select_n3A_251 : vector<2048x8xf32>
    %ge3A_253 = arith.constant 512 : i32
    %ge3A_254 = vector.broadcast %ge3A_253 : i32 to vector<2048x8xi32>
    %ge3A_255 = arith.cmpi sge, %iota3A_171, %ge3A_254 : vector<2048x8xi32>
    %roll3A_256 = arith.constant 512 : i32
    %roll3A_257 = tpu.dynamic_rotate %add3A_252 by %roll3A_256 dim 0 : vector<2048x8xf32>, i32 -> vector<2048x8xf32>
    %jit3A_258 = arith.constant 0.000000e+00 : f32
    %broadcast_in_dim3A_259 = vector.broadcast %jit3A_258 : f32 to vector<2048x8xf32>
    %select_n3A_260 = arith.select %ge3A_255, %roll3A_257, %broadcast_in_dim3A_259 : vector<2048x8xi1>, vector<2048x8xf32>
    %add3A_261 = arith.addf %add3A_252, %select_n3A_260 : vector<2048x8xf32>
    %ge3A_262 = arith.constant 1024 : i32
    %ge3A_263 = vector.broadcast %ge3A_262 : i32 to vector<2048x8xi32>
    %ge3A_264 = arith.cmpi sge, %iota3A_171, %ge3A_263 : vector<2048x8xi32>
    %roll3A_265 = arith.constant 1024 : i32
    %roll3A_266 = tpu.dynamic_rotate %add3A_261 by %roll3A_265 dim 0 : vector<2048x8xf32>, i32 -> vector<2048x8xf32>
    %jit3A_267 = arith.constant 0.000000e+00 : f32
    %broadcast_in_dim3A_268 = vector.broadcast %jit3A_267 : f32 to vector<2048x8xf32>
    %select_n3A_269 = arith.select %ge3A_264, %roll3A_266, %broadcast_in_dim3A_268 : vector<2048x8xi1>, vector<2048x8xf32>
    %add3A_270 = arith.addf %add3A_261, %select_n3A_269 : vector<2048x8xf32>
    %sub3A_271 = arith.subf %add3A_270, %convert_element_type3A_49 : vector<2048x8xf32>
    %add3A_272 = vector.broadcast %mul3A_71 : vector<1x8xf32> to vector<2048x8xf32>
    %add3A_273 = arith.addf %add3A_272, %sub3A_170 : vector<2048x8xf32>
    %mul3A_274 = arith.mulf %convert_element_type3A_45, %add3A_273 : vector<2048x8xf32>
    %reduce_sum3A_275 = arith.constant dense<0.000000e+00> : vector<2048xf32>
    %reduce_sum3A_276 = vector.multi_reduction <add>, %mul3A_274, %reduce_sum3A_275 [1] : vector<2048x8xf32> to vector<2048xf32>
    %broadcast_in_dim3A_277 = vector.shape_cast %reduce_sum3A_276 : vector<2048xf32> to vector<2048x1xf32>
    %add3A_278 = arith.addf %mul3A_71, %broadcast_in_dim3A_52 : vector<1x8xf32>
    %add3A_279 = vector.broadcast %add3A_278 : vector<1x8xf32> to vector<2048x8xf32>
    %add3A_280 = arith.addf %add3A_279, %sub3A_271 : vector<2048x8xf32>
    %mul3A_281 = arith.mulf %convert_element_type3A_49, %add3A_280 : vector<2048x8xf32>
    %reduce_sum3A_282 = arith.constant dense<0.000000e+00> : vector<2048xf32>
    %reduce_sum3A_283 = vector.multi_reduction <add>, %mul3A_281, %reduce_sum3A_282 [1] : vector<2048x8xf32> to vector<2048xf32>
    %broadcast_in_dim3A_284 = vector.shape_cast %reduce_sum3A_283 : vector<2048xf32> to vector<2048x1xf32>
    %concatenate3A_285 = tpu.concatenate %broadcast_in_dim3A_277, %broadcast_in_dim3A_284 in 1 : vector<2048x1xf32>, vector<2048x1xf32> -> vector<2048x2xf32>
    %convert_element_type3A_286 = arith.fptosi %concatenate3A_285 : vector<2048x2xf32> to vector<2048x2xi32>
    %swap3A_287 = arith.constant 0 : index
    %swap3A_288 = arith.constant 0 : index
    %swap3A_289 = vector.load %arg4[%swap3A_287, %swap3A_288] : memref<2048x2xi32, #tpu.memory_space<vmem>>, vector<2048x2xi32>
    tpu.vector_store %arg4[%swap3A_287, %swap3A_288], %convert_element_type3A_286 {strides = array<i32>} : memref<2048x2xi32, #tpu.memory_space<vmem>>, vector<2048x2xi32>,
    %reduce_sum3A_290 = vector.shape_cast %ceil3A : vector<1x8xf32> to vector<1x1x8xf32>
    %reduce_sum3A_291 = arith.constant dense<0.000000e+00> : vector<1xf32>
    %reduce_sum3A_292 = vector.multi_reduction <add>, %reduce_sum3A_290, %reduce_sum3A_291 [1, 2] : vector<1x1x8xf32> to vector<1xf32>
    %reduce_sum3A_293 = vector.shape_cast %reduce_sum3A_292 : vector<1xf32> to vector<1x1x1xf32>
    %reduce_sum3A_294 = vector.extract %reduce_sum3A_293[0, 0, 0] : f32 from vector<1x1x1xf32>
    %iota3A_295 = tpu.iota {dimensions = array<i32: 1>} : vector<1x128xi32>
    %transpose3A_296 = tpu.transpose %broadcast_in_dim3A_69, [1, 0] : vector<1x8xf32> -> vector<8x1xf32>
    %convert_element_type3A_297 = arith.sitofp %iota3A_295 : vector<1x128xi32> to vector<1x128xf32>
    %le3A = vector.broadcast %transpose3A_296 : vector<8x1xf32> to vector<8x128xf32>
    %le3A_298 = vector.broadcast %convert_element_type3A_297 : vector<1x128xf32> to vector<8x128xf32>
    %le3A_299 = arith.cmpf ole, %le3A, %le3A_298 : vector<8x128xf32>
    %convert_element_type3A_300 = arith.extui %le3A_299 : vector<8x128xi1> to vector<8x128xi32>
    %reduce_sum3A_301 = arith.constant dense<0> : vector<128xi32>
    %reduce_sum3A_302 = vector.multi_reduction <add>, %convert_element_type3A_300, %reduce_sum3A_301 [0] : vector<8x128xi32> to vector<128xi32>
    %broadcast_in_dim3A_303 = vector.shape_cast %reduce_sum3A_302 : vector<128xi32> to vector<1x128xi32>
    %sub3A_304 = arith.constant 1 : i32
    %sub3A_305 = vector.broadcast %sub3A_304 : i32 to vector<1x128xi32>
    %sub3A_306 = arith.subi %broadcast_in_dim3A_303, %sub3A_305 : vector<1x128xi32>
    %convert_element_type3A_307 = arith.fptosi %reduce_sum3A_294 : f32 to i32
    %lt3A_308 = vector.broadcast %convert_element_type3A_307 : i32 to vector<1x128xi32>
    %lt3A_309 = arith.cmpi slt, %iota3A_295, %lt3A_308 : vector<1x128xi32>
    %convert_element_type3A_310 = arith.extui %lt3A_309 : vector<1x128xi1> to vector<1x128xi32>
    %roll3A_311 = arith.constant 1 : i32
    %roll3A_312 = tpu.dynamic_rotate %sub3A_306 by %roll3A_311 dim 1 : vector<1x128xi32>, i32 -> vector<1x128xi32>
    %eq3A_313 = arith.constant 0 : i32
    %eq3A_314 = vector.broadcast %eq3A_313 : i32 to vector<1x128xi32>
    %eq3A_315 = arith.cmpi eq, %iota3A_295, %eq3A_314 : vector<1x128xi32>
    %ne3A = arith.cmpi ne, %sub3A_306, %roll3A_312 : vector<1x128xi32>
    %convert_element_type3A_316 = arith.extui %ne3A : vector<1x128xi1> to vector<1x128xi32>
    %jit3A_317 = arith.constant 1 : i32
    %broadcast_in_dim3A_318 = vector.broadcast %jit3A_317 : i32 to vector<1x128xi32>
    %select_n3A_319 = arith.select %eq3A_315, %broadcast_in_dim3A_318, %convert_element_type3A_316 : vector<1x128xi1>, vector<1x128xi32>
    %mul3A_320 = arith.muli %select_n3A_319, %convert_element_type3A_310 : vector<1x128xi32>
    %transpose3A_321 = tpu.transpose %mul3A_320, [1, 0] : vector<1x128xi32> -> vector<128x1xi32>
    %iota3A_322 = tpu.iota {dimensions = array<i32: 0>} : vector<128x128xi32>
    %iota3A_323 = tpu.iota {dimensions = array<i32: 1>} : vector<128x128xi32>
    %le3A_324 = arith.cmpi sle, %iota3A_322, %iota3A_323 : vector<128x128xi32>
    %jit3A_325 = arith.constant 0 : i32
    %broadcast_in_dim3A_326 = vector.shape_cast %transpose3A_321 : vector<128x1xi32> to vector<128x1xi32>
    %broadcast_in_dim3A_327 = vector.broadcast %broadcast_in_dim3A_326 : vector<128x1xi32> to vector<128x128xi32>
    %broadcast_in_dim3A_328 = vector.broadcast %jit3A_325 : i32 to vector<128x128xi32>
    %select_n3A_329 = arith.select %le3A_324, %broadcast_in_dim3A_327, %broadcast_in_dim3A_328 : vector<128x128xi1>, vector<128x128xi32>
    %reduce_sum3A_330 = arith.constant dense<0> : vector<128xi32>
    %reduce_sum3A_331 = vector.multi_reduction <add>, %select_n3A_329, %reduce_sum3A_330 [0] : vector<128x128xi32> to vector<128xi32>
    %broadcast_in_dim3A_332 = vector.shape_cast %reduce_sum3A_331 : vector<128xi32> to vector<1x128xi32>
    %sub3A_333 = arith.constant 1 : i32
    %sub3A_334 = vector.broadcast %sub3A_333 : i32 to vector<1x128xi32>
    %sub3A_335 = arith.subi %broadcast_in_dim3A_332, %sub3A_334 : vector<1x128xi32>
    %and3A = arith.constant 1 : i32
    %and3A_336 = vector.broadcast %and3A : i32 to vector<1x128xi32>
    %and3A_337 = arith.andi %sub3A_335, %and3A_336 : vector<1x128xi32>
    %iota3A_338 = tpu.iota {dimensions = array<i32: 0>} : vector<8x128xi32>
    %gt3A = arith.constant 0.000000e+00 : f32
    %gt3A_339 = vector.broadcast %gt3A : f32 to vector<1x8xf32>
    %gt3A_340 = arith.cmpf ogt, %ceil3A, %gt3A_339 : vector<1x8xf32>
    %convert_element_type3A_341 = arith.extui %gt3A_340 : vector<1x8xi1> to vector<1x8xi32>
    %transpose3A_342 = tpu.transpose %convert_element_type3A_341, [1, 0] : vector<1x8xi32> -> vector<8x1xi32>
    %gt3A_343 = vector.broadcast %sub3A_306 : vector<1x128xi32> to vector<8x128xi32>
    %gt3A_344 = arith.cmpi sgt, %iota3A_338, %gt3A_343 : vector<8x128xi32>
    %eq3A_345 = arith.constant 1 : i32
    %eq3A_346 = vector.broadcast %eq3A_345 : i32 to vector<8x1xi32>
    %eq3A_347 = arith.cmpi eq, %transpose3A_342, %eq3A_346 : vector<8x1xi32>
    %and3A_348 = vector.broadcast %eq3A_347 : vector<8x1xi1> to vector<8x128xi1>
    %and3A_349 = arith.andi %gt3A_344, %and3A_348 : vector<8x128xi1>
    %jit3A_350 = arith.constant 8 : i32
    %broadcast_in_dim3A_351 = vector.broadcast %jit3A_350 : i32 to vector<8x128xi32>
    %select_n3A_352 = arith.select %and3A_349, %iota3A_338, %broadcast_in_dim3A_351 : vector<8x128xi1>, vector<8x128xi32>
    %reduce_min3A_353 = arith.constant dense<2147483647> : vector<128xi32>
    %reduce_min3A_354 = vector.multi_reduction <minsi>, %select_n3A_352, %reduce_min3A_353 [0] : vector<8x128xi32> to vector<128xi32>
    %broadcast_in_dim3A_355 = vector.shape_cast %reduce_min3A_354 : vector<128xi32> to vector<1x128xi32>
    %lt3A_356 = arith.constant 8 : i32
    %lt3A_357 = vector.broadcast %lt3A_356 : i32 to vector<1x128xi32>
    %lt3A_358 = arith.cmpi slt, %broadcast_in_dim3A_355, %lt3A_357 : vector<1x128xi32>
    %convert_element_type3A_359 = arith.extui %lt3A_358 : vector<1x128xi1> to vector<1x128xi32>
    %mul3A_360 = arith.muli %mul3A_320, %convert_element_type3A_359 : vector<1x128xi32>
    %min3A = arith.constant 7 : i32
    %min3A_361 = vector.broadcast %min3A : i32 to vector<1x128xi32>
    %min3A_362 = arith.minsi %broadcast_in_dim3A_355, %min3A_361 : vector<1x128xi32>
    %broadcast_in_dim3A_363 = arith.constant 0 : i32
    %broadcast_in_dim3A_364 = vector.broadcast %broadcast_in_dim3A_363 : i32 to vector<2x128xi32>
    %concatenate3A_365 = tpu.concatenate %sub3A_306, %convert_element_type3A_310, %mul3A_320, %and3A_337, %min3A_362, %mul3A_360, %broadcast_in_dim3A_364 in 0 : vector<1x128xi32>, vector<1x128xi32>, vector<1x128xi32>, vector<1x128xi32>, vector<1x128xi32>, vector<1x128xi32>, vector<2x128xi32> -> vector<8x128xi32>
    %swap3A_366 = arith.constant 0 : index
    %swap3A_367 = arith.constant 0 : index
    %swap3A_368 = vector.load %arg5[%swap3A_366, %swap3A_367] : memref<8x128xi32, #tpu.memory_space<vmem>>, vector<8x128xi32>
    tpu.vector_store %arg5[%swap3A_366, %swap3A_367], %concatenate3A_365 {strides = array<i32>} : memref<8x128xi32, #tpu.memory_space<vmem>>, vector<8x128xi32>,
    return
  }
}

</mosaic_0001>

<sc_bundles>
// kernel: kernel.6.cloned.1.call-start
scs
__scs_entry_jumppad:
0x0: {  	(pc) =	sbr.rel $0x88, $3  }
0x1: {  	(tag) =	ssettag $0x0;
	lr =	simm.s32 $0x1  }
0x2: {  	[smem:$0x3F9C] =	sst lr;
	_ =	strace $0xD0000000  }
0x3: {  	_ = 	snop  }
0x4: {  	_ = 	snop  }
0x5: {  	_ = 	snop  }
0x6: {  	_ = 	snop  }
0x7: {  	_ = 	snop  }
__scs_overlays_trampoline_lowered:
0x8: {  	[smem:$0x3FAB] =	sst s0  }
0x9: {  	[smem:$0x3FAC] =	sst s1  }
0xa: {  	[smem:$0x3FAD] =	sst s2  }
0xb: {  	[smem:$0x3FAE] =	sst s3  }
0xc: {  	[smem:$0x3FAF] =	sst s4  }
0xd: {  	[smem:$0x3FB0] =	sst s5  }
0xe: {  	[smem:$0x3FB1] =	sst s6  }
0xf: {  	[smem:$0x3FB2] =	sst s7  }
0x10: {  	[smem:$0x3FB3] =	sst s8  }
0x11: {  	[smem:$0x3FB4] =	sst s9;
	s0 =	simm.s32 @!p0 $0x0  }
0x12: {  	s1 =	sld [smem:$0x3F9A];
	s0 =	simm.s32 @p0 $0x1  }
0x13: {  	[smem:$0x3FB5] =	sst s0;
	s0 =	simm.s32 @!p1 $0x0  }
0x14: {  	s2 =	sld [smem:$0x3F99];
	s0 =	simm.s32 @p1 $0x1  }
0x15: {  	[smem:$0x3FB6] =	sst s0;
	s0 =	simm.s32 @!p2 $0x0  }
0x16: {  	s3 =	sld [smem:$0x3FDB];
	s0 =	simm.s32 @p2 $0x1  }
0x17: {  	s4 =	simm.s32 $0x1BF5;
	[smem:$0x3FB8] =	sst s0  }
0x18: {  	s0 =	sld [smem:$0x3F9B];
	_ =	swait.ge [sflag:s4], $0x0  }
0x19: {  	s7 =	sld [smem:$0x3F9C]  }
0x1a: {  	s8 =	sadd.s32 $0xFFFFE003, lr  }
0x1b: {  	s9 =	sadd.s32 $0xFFFFFEF7, lr;
	s5 =	simm.s32 $0xFFFFFFFF;
	p2 =	slt.u32 s8, $0xFFFFF086  }
0x1c: {  	p1 =	slt.u32 s9, $0xF7A;
	s5 =	simm.s32 @!p2 $0x0  }
0x1d: {  	s5 =	simm.s32 @p1 $0x1;
	p0 =	seq.s32 s7, s2  }
0x1e: {  	s7 =	smul.u32 @!p0 $0xF7A, s2;
	p2 =	seq.s32 @!p0 s5, $0x0  }
0x1f: {  	s9 =	smul.u32 $0xF7A, s1;
	s8 =	simm.s32 @!p0 $0x1BF5;
	p2 =	por !p2, p0  }
0x20: {  	[sflag:s8] =	ssyncset.s32 @!p0 $0xFFFFF086;
	s6 =	sadd.s32 @!p0 s3, s7;
	s7 =	simm.s32 @!p0 $0x108  }
0x21: {  	s3 =	sadd.s32 s3, s9;
	s6 =	sadd.s32 @!p0 $0x88, s6;
	s7 =	simm.s32 @p2 $0x1082  }
0x22: {  	[simem:s7], [sflag:s8] =	dma.local @!p0 [hbm:s6], $0xF7A  }
0x23: {  	s9 =	sor.u32 $0xD0000000, s2;
	s6 =	simm.s32 $0x108;
	_ =	swait.ge @!p0 [sflag:s8], $0x0  }
0x24: {  	s3 =	sadd.s32 $0x88, s3;
	s6 =	simm.s32 @!p1 $0x1082;
	[sflag:s4] =	ssyncset.s32 $0xFFFFF086  }
0x25: {  	[simem:s6], [sflag:s4] =	dma.local [hbm:s3], $0xF7A  }
0x26: {  	[smem:$0x3F9C] =	sst s1;
	(tag) =	ssettag s2;
	_ =	strace s9  }
0x27: {  	s1 =	sld [smem:$0x3FAC]  }
0x28: {  	s2 =	sld [smem:$0x3FAD]  }
0x29: {  	s4 =	sld [smem:$0x3FAF]  }
0x2a: {  	p0 =	seq.s32 s5, $0x0;
	s5 =	sld [smem:$0x3FB0]  }
0x2b: {  	s6 =	sld [smem:$0x3FB1]  }
0x2c: {  	s7 =	sld [smem:$0x3FB2]  }
0x2d: {  	s3 =	simm.s32 $0x108;
	s8 =	sld [smem:$0x3FB3]  }
0x2e: {  	s3 =	simm.s32 @!p0 $0x1082;
	s9 =	sld [smem:$0x3FB4]  }
0x2f: {  	lr =	sadd.s32 s0, s3;
	s0 =	sld [smem:$0x3FAB]  }
0x30: {  	s3 =	sld [smem:$0x3FAE]  }
0x31: {  	[smem:$0x3FB7] =	sst s10  }
0x32: {  	s10 =	sld [smem:$0x3FB5];
	_ =	sdelay $0x3  }
0x33: {  	p0 =	seq.s32 s10, $0x1;
	s10 =	sld [smem:$0x3FB7];
	_ =	sdelay $0x3  }
0x34: {  	[smem:$0x3FB7] =	sst s10  }
0x35: {  	s10 =	sld [smem:$0x3FB6];
	_ =	sdelay $0x3  }
0x36: {  	p1 =	seq.s32 s10, $0x1;
	s10 =	sld [smem:$0x3FB7];
	_ =	sdelay $0x3  }
0x37: {  	[smem:$0x3FB7] =	sst s10  }
0x38: {  	s10 =	sld [smem:$0x3FB8]  }
0x39: {  	_ = 	snop;
	(pc) =	sbr.ind lr, $3  }
0x3a: {  	_ = 	snop  }
0x3b: {  	_ = 	snop  }
0x3c: {  	p2 =	seq.s32 s10, $0x1;
	s10 =	sld [smem:$0x3FB7]  }
0x3d: {  	_ =	shalt  }
0x3e: {  	_ =	shalt  }
0x3f: {  	_ =	shalt  }
0x40: {  	_ =	shalt  }
0x41: {  	_ =	shalt  }
0x42: {  	_ =	shalt  }
0x43: {  	_ =	shalt  }
0x44: {  	_ =	shalt  }
0x45: {  	_ =	shalt  }
0x46: {  	_ =	shalt  }
0x47: {  	_ =	shalt  }
0x48: {  	_ =	shalt  }
0x49: {  	_ =	shalt  }
0x4a: {  	_ =	shalt  }
0x4b: {  	_ =	shalt  }
0x4c: {  	_ =	shalt  }
0x4d: {  	_ =	shalt  }
0x4e: {  	_ =	shalt  }
0x4f: {  	_ =	shalt  }
0x50: {  	_ =	shalt  }
0x51: {  	_ =	shalt  }
0x52: {  	_ =	shalt  }
0x53: {  	_ =	shalt  }
0x54: {  	_ =	shalt  }
0x55: {  	_ =	shalt  }
0x56: {  	_ =	shalt  }
0x57: {  	_ =	shalt  }
0x58: {  	_ =	shalt  }
0x59: {  	_ =	shalt  }
0x5a: {  	_ =	shalt  }
0x5b: {  	_ =	shalt  }
0x5c: {  	_ =	shalt  }
0x5d: {  	_ =	shalt  }
0x5e: {  	_ =	shalt  }
0x5f: {  	_ =	shalt  }
0x60: {  	_ =	shalt  }
0x61: {  	_ =	shalt  }
0x62: {  	_ =	shalt  }
0x63: {  	_ =	shalt  }
0x64: {  	_ =	shalt  }
0x65: {  	_ =	shalt  }
0x66: {  	_ =	shalt  }
0x67: {  	_ =	shalt  }
0x68: {  	_ =	shalt  }
0x69: {  	_ =	shalt  }
0x6a: {  	_ =	shalt  }
0x6b: {  	_ =	shalt  }
0x6c: {  	_ =	shalt  }
0x6d: {  	_ =	shalt  }
0x6e: {  	_ =	shalt  }
0x6f: {  	_ =	shalt  }
0x70: {  	_ =	shalt  }
0x71: {  	_ =	shalt  }
0x72: {  	_ =	shalt  }
0x73: {  	_ =	shalt  }
0x74: {  	_ =	shalt  }
0x75: {  	_ =	shalt  }
0x76: {  	_ =	shalt  }
0x77: {  	_ =	shalt  }
0x78: {  	_ =	shalt  }
0x79: {  	_ =	shalt  }
0x7a: {  	_ =	shalt  }
0x7b: {  	_ =	shalt  }
0x7c: {  	_ =	shalt  }
0x7d: {  	_ =	shalt  }
0x7e: {  	_ =	shalt  }
0x7f: {  	_ =	shalt  }
0x80: {  	_ =	shalt  }
0x81: {  	_ =	shalt  }
0x82: {  	_ =	shalt  }
0x83: {  	_ =	shalt  }
0x84: {  	_ =	shalt  }
0x85: {  	_ =	shalt  }
0x86: {  	_ =	shalt  }
0x87: {  	_ =	shalt  }
.Lfunc_end0:
.L_simem_size_0:
called_computation_lowered:
.L_overlay_start_0:
0x88: {  	s2 =	sld [smem:$0x3FD9]  }
0x89: {  	s3 =	sld [smem:$0x3FFE];
	_ =	sdelay $0x1  }
0x8a: {  	s1 =	srdreg.scid  }
0x8b: {  	s0 =	sand.u32 $0x1, s1  }
0x8c: {  	s17 =	sshll.u32 s0, $0xA;
	s2 =	sadd.s32 s3, s2  }
0x8d: {  	s2 =	sadd.s32 s2, s17  }
0x8e: {  	[smem:$0x3FC3] =	sst s2  }
0x8f: {  	_ = 	snop  }
0x90: {  	s2 =	sld [smem:$0x3FC9];
	(tm) =	ssettm $0x1  }
0x91: {  	s18 =	sld [smem:$0x3FFB];
	_ =	sdelay $0x3  }
0x92: {  	_ =	strace s18  }
0x93: {  	s3 =	sld [smem:$0x3FFC];
	_ =	sdelay $0x3  }
0x94: {  	_ =	strace s3  }
0x95: {  	s3 =	sld [smem:$0x3FFD];
	_ =	sdelay $0x3  }
0x96: {  	_ =	strace s3  }
0x97: {  	_ =	strace $0x8FFFFFFF  }
0x98: {  	s19 =	sld [smem:$0x3FDB];
	_ =	sdelay $0x1  }
0x99: {  	s4 =	simm.s32 $_scs_section_size  }
0x9a: {  	s5 =	simm.s32 $_size__tile_overlayer_lowered;
	s6 =	simm.s32 $_tile_overlayer_lowered  }
0x9b: {  	s22 =	simm.s32 $0x1BFF;
	s21 =	sshll.u32 s6, $0x1;
	s3 =	sadd.s32 s4, s19  }
0x9c: {  	s7 =	simm.s32 $0x0;
	s20 =	sshll.u32 s5, $0x1;
	s5 =	sadd.s32 s21, s3  }
0x9d: {  	[timem:s7], [sflag:s22] =	dma.local [hbm:s5], s20  }
0x9e: {  	_ =	swait.ge [sflag:s22], s20  }
0x9f: {  	s4 =	ssub.s32 $0x0, s20;
	[sflag:s22] =	ssyncset.done $0x0  }
0xa0: {  	[sflag:s22] =	ssyncadd.s32 s4;
	_ =	sdelay $0x1  }
0xa1: {  	s23 =	simm.s32 $0x1B8B  }
0xa2: {  	_ =	swait.ge [sflag:s23], $0x1  }
0xa3: {  	[sflag:s23] =	ssyncset.done $0x0  }
0xa4: {  	s25 =	simm.s32 $0x1B8E;
	s24 =	sld [smem:$0x3FFE];
	[sflag:s23] =	ssyncadd.s32 $0xFFFFFFFF  }
0xa5: {  	s26 =	simm.s32 $execute0_lowered;
	[smem:$0x3FD2] =	sst s25  }
0xa6: {  	s5 =	sshll.u32 s26, $0x1;
	_ =	strace $0x80000046;
	[dreg:$0x1] =	wrdreg $0xFFFFFFFF  }
0xa7: {  	s28 =	simm.s32 $_size_execute0_lowered;
	s3 =	sadd.s32 s3, s5;
	[dreg:$0x0] =	wrdreg $0x0  }
0xa8: {  	s5 =	sshll.u32 s28, $0x1;
	[dreg:$0x2] =	wrdreg s3  }
0xa9: {  	[dreg:$0x3] =	wrdreg s5  }
0xaa: {  	[dreg:$0x4] =	wrdreg $0xC0  }
0xab: {  	_ =	task [dreg:s7], $0x5FFFF  }
0xac: {  	[dreg:$0x1] =	wrdreg $0xFFFFFFFF  }
0xad: {  	[dreg:$0x0] =	wrdreg $0x60  }
0xae: {  	[dreg:$0x2] =	wrdreg s2  }
0xaf: {  	[dreg:$0x3] =	wrdreg s24  }
0xb0: {  	[dreg:$0x4] =	wrdreg $0x9  }
0xb1: {  	_ =	task.clear_ibuf [dreg:s7], $0x5FFFF;
	_ =	strace $0x90000046  }
0xb2: {  	s29 =	simm.s32 $0x9;
	_ =	strace $0x80000048  }
0xb3: {  	_ =	swait.ge [sflag:s29], $0x1  }
0xb4: {  	[sflag:s29] =	ssyncadd.s32 $0xFFFFFFFF  }
0xb5: {  	_ =	strace $0x90000048  }
0xb6: {  	_ =	sfence  }
0xb7: {  	s30 =	sld [smem:$0x0];
	_ =	sdelay $0x2  }
0xb8: {  	s31 =	sshll.u32 s1, $0xD;
	s1 =	sshrl.u32 s1, $0x2  }
0xb9: {  	s3 =	sand.u32 $0x4000, s31;
	s1 =	sadd.s32 s1, s30  }
0xba: {  	s0 =	sor.u32 s3, s0;
	s1 =	sshll.u32 s1, $0x11  }
0xbb: {  	s0 =	sor.u32 s1, s0  }
0xbc: {  	s0 =	sadd.s32 $0x8F2B, s0  }
0xbd: {  	[sflag:s0] =	ssyncadd.remote.s32 $0x1  }
0xbe: {  	_ =	sfence.sel $0xFFFF  }
0xbf: {  	[dreg:$0x0] =	wrdreg $0xFFFFFFFF;
	(pc) =	sbr.abs _section_cstart, $3  }
0xc0: {  	[dreg:$0x1] =	wrdreg $0xFFFFFFFF  }
0xc1: {  	_ =	task.clear_ibuf [dreg:s7], $0x2FFFF;
	_ =	strace $0x9FFFFFFF  }
0xc2: {  	(tm) =	ssettm $0x7FFFFFFF  }
0xc3: {  	_ =	shalt  }
tec
execute0_lowered:
.L_overlay_start_1:
0x0: {  	(tag) =	ssettag $0x1  }
0x1: {  	s0 =	srdreg.scid  }
0x2: {  	s1 =	rddreg [dreg:$0x0];
	s2 =	stileid.u32  }
0x3: {  	s6 =	rddreg [dreg:$0x1];
	s26 =	simm.s32 $0x80;
	s8 =	simm.s32 $0x2  }
0x4: {  	s18 =	simm.s32 $0x100;
	s21 =	simm.s32 $0x1900;
	s22 =	simm.s32 $0x2100  }
0x5: {  	s23 =	simm.s32 $0x2900;
	s24 =	simm.s32 $0x3100;
	s28 =	simm.s32 $0x4900  }
0x6: {  	s29 =	simm.s32 $0x5100;
	s30 =	simm.s32 $0x5900;
	s31 =	simm.s32 $0x6100  }
0x7: {  	s10 =	simm.s32 $0x7900;
	s11 =	simm.s32 $0x8100;
	s12 =	simm.s32 $0x8900  }
0x8: {  	s13 =	simm.s32 $0x9100;
	s14 =	simm.s32 $0x9900;
	s15 =	simm.s32 $0xA100  }
0x9: {  	s16 =	simm.s32 $0xA900;
	s17 =	simm.s32 $0xB100;
	s9 =	simm.s32 $0xB900  }
0xa: {  	s0 =	sand.u32 $0x1, s0;
	s3 =	sshll.u32 s2, $0x7;
	s2 =	simm.s32 $0x0  }
0xb: {  	s4 =	sshll.u32 s0, $0x6;
	[smem:$0x7FF] =	sst s2;
	s0 =	ssub.s32 $0x2, s0  }
0xc: {  	s4 =	sor.u32 s4, s3;
	_ =	strace $0x80000047;
	s25 =	sshrl.u32 s0, $0x1  }
0xd: {  	[dreg:$0x6] =	wrdreg s26;
	s3 =	sshrl.u32 s4, $0x3;
	s4 =	sshll.u32 s4, $0x7  }
0xe: {  	s26 =	simm.s32 $0x4100;
	s5 =	sadd.s32 s3, s6;
	s1 =	sadd.s32 s1, s4  }
0xf: {  	s0 =	ssub.s32 s0, s25;
	s7 =	sadd.s32 $0x1000, s5;
	[dreg:$0x5] =	wrdreg s1  }
0x10: {  	v2 =	vlaneseq.u32;
	s25 =	simm.s32 $0x3900;
	s5 =	sadd.s32 $0xE00, s5;
	[dreg:$0x3] =	wrdreg s7  }
0x11: {  	vm0 =	vmmov $0xffff;
	v1 =	vshrl.u32 v2, $0x3;
	s3 =	sadd.s32 $0x1200, s6;
	s4 =	sadd.s32 $0x1300, s6;
	[dreg:$0x4] =	wrdreg s5  }
0x12: {  	v0 =	vand.u32 $0x7, v2;
	v2 =	vor.u32 $0x8, v2;
	v1 =	vmul.u32 $0x8, v1;
	s5 =	sadd.s32 $0x1400, s6;
	s6 =	sadd.s32 $0x1500, s6;
	s7 =	smax.u32 s0, $0x1  }
.LBB2_1:
0x13: {  	s19 =	rddreg [dreg:$0x3]  }
0x14: {  	[tilespmem:s2], [sflag:$0x2] =	stream.linear.gather [hbm4b:s19+s2], $0x40, $0x38;
	[tilespmem:$0x10100] =	vst v63  }
0x15: {  	_ =	swait.ge [sflag:s8], $0x40  }
0x16: {  	s0 =	rddreg [dreg:$0x4];
	[sflag:s8] =	ssyncset.done $0x0  }
0x17: {  	s20 =	rddreg [dreg:$0x6];
	[sflag:s8] =	ssyncadd.s32 $0xFFFFFFC0  }
0x18: {  	[tilespmem:s20], [sflag:$0x2] =	stream.linear.gather [hbm4b:s0+s2], $0x40, $0x38;
	[tilespmem:$0x10100] =	vst v63  }
0x19: {  	_ =	swait.ge [sflag:s8], $0x40  }
0x1a: {  	[sflag:s8] =	ssyncset.done $0x0  }
0x1b: {  	s1 =	rddreg [dreg:$0x5];
	[sflag:s8] =	ssyncadd.s32 $0xFFFFFFC0  }
0x1c: {  	[tilespmem:s18], [sflag:$0x2] =	stream.linear.gather [hbm4b:s1+s2], $0x10000, $0x38;
	[tilespmem:$0x10100] =	vst v63  }
0x1d: {  	_ =	swait.ge [sflag:s8], $0x10000  }
0x1e: {  	[sflag:s8] =	ssyncset.done $0x0  }
0x1f: {  	[sflag:s8] =	ssyncadd.s32 $0xFFFF0000  }
0x20: {  	v3 =	vld [tilespmem:$0x0];
	_ =	sdelay $0x4  }
0x21: {  	v4 =	vshll.u32 v3, $0x3  }
0x22: {  	v3 =	vand.u32 $0x7, v3;
	v4 =	vand.u32 $0xFFFFFFC0, v4  }
0x23: {  	v3 =	vor.u32 v3, v4  }
0x24: {  	v4 =	vperm.xlane v3, v0;
	_ =	sdelay $0x1  }
0x25: {  	v4 =	vadd.s32 v1, v4;
	_ =	sdelay $0x4  }
0x26: {  	[hbm4b:s3+s2] =	stream.indirect_vreg.scatter [tilespmem:s18], [sflag:$0x1], $0x80, v4, vm0, $0xb8;
	[tilespmem:$0x10100] =	vst v63  }
0x27: {  	s19 =	simm.s32 $0x900;
	v3 =	vperm.xlane v3, v2  }
0x28: {  	[hbm4b:s4+s2] =	stream.indirect_vreg.scatter [tilespmem:s19], [sflag:$0x1], $0x80, v4, vm0, $0xb8;
	[tilespmem:$0x10100] =	vst v63  }
0x29: {  	s20 =	simm.s32 $0x1100;
	v3 =	vadd.s32 v1, v3  }
0x2a: {  	[hbm4b:s5+s2] =	stream.indirect_vreg.scatter [tilespmem:s20], [sflag:$0x1], $0x80, v4, vm0, $0xb8;
	[tilespmem:$0x10100] =	vst v63  }
0x2b: {  	_ = 	snop  }
0x2c: {  	[hbm4b:s6+s2] =	stream.indirect_vreg.scatter [tilespmem:s21], [sflag:$0x1], $0x80, v4, vm0, $0xb8;
	[tilespmem:$0x10100] =	vst v63  }
0x2d: {  	_ = 	snop  }
0x2e: {  	[hbm4b:s3+s2] =	stream.indirect_vreg.scatter [tilespmem:s22], [sflag:$0x1], $0x80, v3, vm0, $0xb8;
	[tilespmem:$0x10100] =	vst v63  }
0x2f: {  	_ = 	snop  }
0x30: {  	[hbm4b:s4+s2] =	stream.indirect_vreg.scatter [tilespmem:s23], [sflag:$0x1], $0x80, v3, vm0, $0xb8;
	[tilespmem:$0x10100] =	vst v63  }
0x31: {  	_ = 	snop  }
0x32: {  	[hbm4b:s5+s2] =	stream.indirect_vreg.scatter [tilespmem:s24], [sflag:$0x1], $0x80, v3, vm0, $0xb8;
	[tilespmem:$0x10100] =	vst v63  }
0x33: {  	_ = 	snop  }
0x34: {  	[hbm4b:s6+s2] =	stream.indirect_vreg.scatter [tilespmem:s25], [sflag:$0x1], $0x80, v3, vm0, $0xb8;
	[tilespmem:$0x10100] =	vst v63  }
0x35: {  	v3 =	vld [tilespmem:$0x10];
	_ =	sdelay $0x4  }
0x36: {  	v57 =	vshll.u32 v3, $0x3  }
0x37: {  	v3 =	vand.u32 $0x7, v3;
	v4 =	vand.u32 $0xFFFFFFC0, v57  }
0x38: {  	v3 =	vor.u32 v3, v4  }
0x39: {  	v4 =	vperm.xlane v3, v0;
	_ =	sdelay $0x1  }
0x3a: {  	v4 =	vadd.s32 v1, v4;
	_ =	sdelay $0x4  }
0x3b: {  	[hbm4b:s3+s2] =	stream.indirect_vreg.scatter [tilespmem:s26], [sflag:$0x1], $0x80, v4, vm0, $0xb8;
	[tilespmem:$0x10100] =	vst v63  }
0x3c: {  	v3 =	vperm.xlane v3, v2  }
0x3d: {  	[hbm4b:s4+s2] =	stream.indirect_vreg.scatter [tilespmem:s28], [sflag:$0x1], $0x80, v4, vm0, $0xb8;
	[tilespmem:$0x10100] =	vst v63  }
0x3e: {  	v3 =	vadd.s32 v1, v3  }
0x3f: {  	[hbm4b:s5+s2] =	stream.indirect_vreg.scatter [tilespmem:s29], [sflag:$0x1], $0x80, v4, vm0, $0xb8;
	[tilespmem:$0x10100] =	vst v63  }
0x40: {  	_ = 	snop  }
0x41: {  	[hbm4b:s6+s2] =	stream.indirect_vreg.scatter [tilespmem:s30], [sflag:$0x1], $0x80, v4, vm0, $0xb8;
	[tilespmem:$0x10100] =	vst v63  }
0x42: {  	_ = 	snop  }
0x43: {  	[hbm4b:s3+s2] =	stream.indirect_vreg.scatter [tilespmem:s31], [sflag:$0x1], $0x80, v3, vm0, $0xb8;
	[tilespmem:$0x10100] =	vst v63  }
0x44: {  	s1 =	simm.s32 $0x6900  }
0x45: {  	[hbm4b:s4+s2] =	stream.indirect_vreg.scatter [tilespmem:s1], [sflag:$0x1], $0x80, v3, vm0, $0xb8;
	[tilespmem:$0x10100] =	vst v63  }
0x46: {  	s0 =	simm.s32 $0x7100  }
0x47: {  	[hbm4b:s5+s2] =	stream.indirect_vreg.scatter [tilespmem:s0], [sflag:$0x1], $0x80, v3, vm0, $0xb8;
	[tilespmem:$0x10100] =	vst v63  }
0x48: {  	_ = 	snop  }
0x49: {  	[hbm4b:s6+s2] =	stream.indirect_vreg.scatter [tilespmem:s10], [sflag:$0x1], $0x80, v3, vm0, $0xb8;
	[tilespmem:$0x10100] =	vst v63  }
0x4a: {  	v3 =	vld [tilespmem:$0x20];
	_ =	sdelay $0x4  }
0x4b: {  	v58 =	vshll.u32 v3, $0x3  }
0x4c: {  	v3 =	vand.u32 $0x7, v3;
	v4 =	vand.u32 $0xFFFFFFC0, v58  }
0x4d: {  	v3 =	vor.u32 v3, v4  }
0x4e: {  	v4 =	vperm.xlane v3, v0;
	_ =	sdelay $0x1  }
0x4f: {  	v4 =	vadd.s32 v1, v4;
	_ =	sdelay $0x4  }
0x50: {  	[hbm4b:s3+s2] =	stream.indirect_vreg.scatter [tilespmem:s11], [sflag:$0x1], $0x80, v4, vm0, $0xb8;
	[tilespmem:$0x10100] =	vst v63  }
0x51: {  	v3 =	vperm.xlane v3, v2  }
0x52: {  	[hbm4b:s4+s2] =	stream.indirect_vreg.scatter [tilespmem:s12], [sflag:$0x1], $0x80, v4, vm0, $0xb8;
	[tilespmem:$0x10100] =	vst v63  }
0x53: {  	v3 =	vadd.s32 v1, v3  }
0x54: {  	[hbm4b:s5+s2] =	stream.indirect_vreg.scatter [tilespmem:s13], [sflag:$0x1], $0x80, v4, vm0, $0xb8;
	[tilespmem:$0x10100] =	vst v63  }
0x55: {  	_ = 	snop  }
0x56: {  	[hbm4b:s6+s2] =	stream.indirect_vreg.scatter [tilespmem:s14], [sflag:$0x1], $0x80, v4, vm0, $0xb8;
	[tilespmem:$0x10100] =	vst v63  }
0x57: {  	_ = 	snop  }
0x58: {  	[hbm4b:s3+s2] =	stream.indirect_vreg.scatter [tilespmem:s15], [sflag:$0x1], $0x80, v3, vm0, $0xb8;
	[tilespmem:$0x10100] =	vst v63  }
0x59: {  	_ = 	snop  }
0x5a: {  	[hbm4b:s4+s2] =	stream.indirect_vreg.scatter [tilespmem:s16], [sflag:$0x1], $0x80, v3, vm0, $0xb8;
	[tilespmem:$0x10100] =	vst v63  }
0x5b: {  	_ = 	snop  }
0x5c: {  	[hbm4b:s5+s2] =	stream.indirect_vreg.scatter [tilespmem:s17], [sflag:$0x1], $0x80, v3, vm0, $0xb8;
	[tilespmem:$0x10100] =	vst v63  }
0x5d: {  	_ = 	snop  }
0x5e: {  	[hbm4b:s6+s2] =	stream.indirect_vreg.scatter [tilespmem:s9], [sflag:$0x1], $0x80, v3, vm0, $0xb8;
	[tilespmem:$0x10100] =	vst v63  }
0x5f: {  	v3 =	vld [tilespmem:$0x30];
	_ =	sdelay $0x4  }
0x60: {  	v59 =	vshll.u32 v3, $0x3  }
0x61: {  	v3 =	vand.u32 $0x7, v3;
	v4 =	vand.u32 $0xFFFFFFC0, v59  }
0x62: {  	v3 =	vor.u32 v3, v4  }
0x63: {  	v4 =	vperm.xlane v3, v0;
	_ =	sdelay $0x1  }
0x64: {  	v4 =	vadd.s32 v1, v4;
	_ =	sdelay $0x3  }
0x65: {  	s0 =	simm.s32 $0xC100  }
0x66: {  	[hbm4b:s3+s2] =	stream.indirect_vreg.scatter [tilespmem:s0], [sflag:$0x1], $0x80, v4, vm0, $0xb8;
	[tilespmem:$0x10100] =	vst v63  }
0x67: {  	v3 =	vperm.xlane v3, v2;
	s0 =	simm.s32 $0xC900  }
0x68: {  	[hbm4b:s4+s2] =	stream.indirect_vreg.scatter [tilespmem:s0], [sflag:$0x1], $0x80, v4, vm0, $0xb8;
	[tilespmem:$0x10100] =	vst v63  }
0x69: {  	v3 =	vadd.s32 v1, v3;
	s0 =	simm.s32 $0xD100  }
0x6a: {  	[hbm4b:s5+s2] =	stream.indirect_vreg.scatter [tilespmem:s0], [sflag:$0x1], $0x80, v4, vm0, $0xb8;
	[tilespmem:$0x10100] =	vst v63  }
0x6b: {  	s0 =	simm.s32 $0xD900  }
0x6c: {  	[hbm4b:s6+s2] =	stream.indirect_vreg.scatter [tilespmem:s0], [sflag:$0x1], $0x80, v4, vm0, $0xb8;
	[tilespmem:$0x10100] =	vst v63  }
0x6d: {  	s0 =	simm.s32 $0xE100  }
0x6e: {  	[hbm4b:s3+s2] =	stream.indirect_vreg.scatter [tilespmem:s0], [sflag:$0x1], $0x80, v3, vm0, $0xb8;
	[tilespmem:$0x10100] =	vst v63  }
0x6f: {  	s0 =	simm.s32 $0xE900  }
0x70: {  	[hbm4b:s4+s2] =	stream.indirect_vreg.scatter [tilespmem:s0], [sflag:$0x1], $0x80, v3, vm0, $0xb8;
	[tilespmem:$0x10100] =	vst v63  }
0x71: {  	s0 =	simm.s32 $0xF100  }
0x72: {  	[hbm4b:s5+s2] =	stream.indirect_vreg.scatter [tilespmem:s0], [sflag:$0x1], $0x80, v3, vm0, $0xb8;
	[tilespmem:$0x10100] =	vst v63  }
0x73: {  	s0 =	simm.s32 $0xF900  }
0x74: {  	[hbm4b:s6+s2] =	stream.indirect_vreg.scatter [tilespmem:s0], [sflag:$0x1], $0x80, v3, vm0, $0xb8;
	[tilespmem:$0x10100] =	vst v63  }
0x75: {  	v3 =	vld [tilespmem:$0x80];
	_ =	sdelay $0x4  }
0x76: {  	v60 =	vshll.u32 v3, $0x3  }
0x77: {  	v3 =	vand.u32 $0x7, v3;
	v4 =	vand.u32 $0xFFFFFFC0, v60  }
0x78: {  	v3 =	vor.u32 v3, v4  }
0x79: {  	v4 =	vperm.xlane v3, v0;
	_ =	sdelay $0x1  }
0x7a: {  	v4 =	vadd.s32 v1, v4;
	_ =	sdelay $0x4  }
0x7b: {  	[hbm4b:s3+s2] =	stream.indirect_vreg.scatter [tilespmem:s18], [sflag:$0x1], $0x80, v4, vm0, $0xb8;
	[tilespmem:$0x10100] =	vst v63  }
0x7c: {  	v3 =	vperm.xlane v3, v2  }
0x7d: {  	[hbm4b:s4+s2] =	stream.indirect_vreg.scatter [tilespmem:s19], [sflag:$0x1], $0x80, v4, vm0, $0xb8;
	[tilespmem:$0x10100] =	vst v63  }
0x7e: {  	v3 =	vadd.s32 v1, v3  }
0x7f: {  	[hbm4b:s5+s2] =	stream.indirect_vreg.scatter [tilespmem:s20], [sflag:$0x1], $0x80, v4, vm0, $0xb8;
	[tilespmem:$0x10100] =	vst v63  }
0x80: {  	_ = 	snop  }
0x81: {  	[hbm4b:s6+s2] =	stream.indirect_vreg.scatter [tilespmem:s21], [sflag:$0x1], $0x80, v4, vm0, $0xb8;
	[tilespmem:$0x10100] =	vst v63  }
0x82: {  	_ = 	snop  }
0x83: {  	[hbm4b:s3+s2] =	stream.indirect_vreg.scatter [tilespmem:s22], [sflag:$0x1], $0x80, v3, vm0, $0xb8;
	[tilespmem:$0x10100] =	vst v63  }
0x84: {  	_ = 	snop  }
0x85: {  	[hbm4b:s4+s2] =	stream.indirect_vreg.scatter [tilespmem:s23], [sflag:$0x1], $0x80, v3, vm0, $0xb8;
	[tilespmem:$0x10100] =	vst v63  }
0x86: {  	_ = 	snop  }
0x87: {  	[hbm4b:s5+s2] =	stream.indirect_vreg.scatter [tilespmem:s24], [sflag:$0x1], $0x80, v3, vm0, $0xb8;
	[tilespmem:$0x10100] =	vst v63  }
0x88: {  	_ = 	snop  }
0x89: {  	[hbm4b:s6+s2] =	stream.indirect_vreg.scatter [tilespmem:s25], [sflag:$0x1], $0x80, v3, vm0, $0xb8;
	[tilespmem:$0x10100] =	vst v63  }
0x8a: {  	v3 =	vld [tilespmem:$0x90];
	_ =	sdelay $0x4  }
0x8b: {  	v61 =	vshll.u32 v3, $0x3  }
0x8c: {  	v3 =	vand.u32 $0x7, v3;
	v4 =	vand.u32 $0xFFFFFFC0, v61  }
0x8d: {  	v3 =	vor.u32 v3, v4  }
0x8e: {  	v4 =	vperm.xlane v3, v0;
	_ =	sdelay $0x1  }
0x8f: {  	v4 =	vadd.s32 v1, v4;
	_ =	sdelay $0x4  }
0x90: {  	[hbm4b:s3+s2] =	stream.indirect_vreg.scatter [tilespmem:s26], [sflag:$0x1], $0x80, v4, vm0, $0xb8;
	[tilespmem:$0x10100] =	vst v63  }
0x91: {  	v3 =	vperm.xlane v3, v2  }
0x92: {  	[hbm4b:s4+s2] =	stream.indirect_vreg.scatter [tilespmem:s28], [sflag:$0x1], $0x80, v4, vm0, $0xb8;
	[tilespmem:$0x10100] =	vst v63  }
0x93: {  	v3 =	vadd.s32 v1, v3  }
0x94: {  	[hbm4b:s5+s2] =	stream.indirect_vreg.scatter [tilespmem:s29], [sflag:$0x1], $0x80, v4, vm0, $0xb8;
	[tilespmem:$0x10100] =	vst v63  }
0x95: {  	_ = 	snop  }
0x96: {  	[hbm4b:s6+s2] =	stream.indirect_vreg.scatter [tilespmem:s30], [sflag:$0x1], $0x80, v4, vm0, $0xb8;
	[tilespmem:$0x10100] =	vst v63  }
0x97: {  	_ = 	snop  }
0x98: {  	[hbm4b:s3+s2] =	stream.indirect_vreg.scatter [tilespmem:s31], [sflag:$0x1], $0x80, v3, vm0, $0xb8;
	[tilespmem:$0x10100] =	vst v63  }
0x99: {  	_ = 	snop  }
0x9a: {  	[hbm4b:s4+s2] =	stream.indirect_vreg.scatter [tilespmem:s1], [sflag:$0x1], $0x80, v3, vm0, $0xb8;
	[tilespmem:$0x10100] =	vst v63  }
0x9b: {  	s20 =	simm.s32 $0x7100  }
0x9c: {  	[hbm4b:s5+s2] =	stream.indirect_vreg.scatter [tilespmem:s20], [sflag:$0x1], $0x80, v3, vm0, $0xb8;
	[tilespmem:$0x10100] =	vst v63  }
0x9d: {  	_ = 	snop  }
0x9e: {  	[hbm4b:s6+s2] =	stream.indirect_vreg.scatter [tilespmem:s10], [sflag:$0x1], $0x80, v3, vm0, $0xb8;
	[tilespmem:$0x10100] =	vst v63  }
0x9f: {  	v3 =	vld [tilespmem:$0xA0];
	_ =	sdelay $0x4  }
0xa0: {  	v62 =	vshll.u32 v3, $0x3  }
0xa1: {  	v3 =	vand.u32 $0x7, v3;
	v4 =	vand.u32 $0xFFFFFFC0, v62  }
0xa2: {  	v3 =	vor.u32 v3, v4  }
0xa3: {  	v4 =	vperm.xlane v3, v0;
	_ =	sdelay $0x1  }
0xa4: {  	v4 =	vadd.s32 v1, v4;
	_ =	sdelay $0x4  }
0xa5: {  	[hbm4b:s3+s2] =	stream.indirect_vreg.scatter [tilespmem:s11], [sflag:$0x1], $0x80, v4, vm0, $0xb8;
	[tilespmem:$0x10100] =	vst v63  }
0xa6: {  	v3 =	vperm.xlane v3, v2  }
0xa7: {  	[hbm4b:s4+s2] =	stream.indirect_vreg.scatter [tilespmem:s12], [sflag:$0x1], $0x80, v4, vm0, $0xb8;
	[tilespmem:$0x10100] =	vst v63  }
0xa8: {  	v3 =	vadd.s32 v1, v3  }
0xa9: {  	[hbm4b:s5+s2] =	stream.indirect_vreg.scatter [tilespmem:s13], [sflag:$0x1], $0x80, v4, vm0, $0xb8;
	[tilespmem:$0x10100] =	vst v63  }
0xaa: {  	_ = 	snop  }
0xab: {  	[hbm4b:s6+s2] =	stream.indirect_vreg.scatter [tilespmem:s14], [sflag:$0x1], $0x80, v4, vm0, $0xb8;
	[tilespmem:$0x10100] =	vst v63  }
0xac: {  	_ = 	snop  }
0xad: {  	[hbm4b:s3+s2] =	stream.indirect_vreg.scatter [tilespmem:s15], [sflag:$0x1], $0x80, v3, vm0, $0xb8;
	[tilespmem:$0x10100] =	vst v63  }
0xae: {  	_ = 	snop  }
0xaf: {  	[hbm4b:s4+s2] =	stream.indirect_vreg.scatter [tilespmem:s16], [sflag:$0x1], $0x80, v3, vm0, $0xb8;
	[tilespmem:$0x10100] =	vst v63  }
0xb0: {  	_ = 	snop  }
0xb1: {  	[hbm4b:s5+s2] =	stream.indirect_vreg.scatter [tilespmem:s17], [sflag:$0x1], $0x80, v3, vm0, $0xb8;
	[tilespmem:$0x10100] =	vst v63  }
0xb2: {  	_ = 	snop  }
0xb3: {  	[hbm4b:s6+s2] =	stream.indirect_vreg.scatter [tilespmem:s9], [sflag:$0x1], $0x80, v3, vm0, $0xb8;
	[tilespmem:$0x10100] =	vst v63  }
0xb4: {  	v3 =	vld [tilespmem:$0xB0];
	_ =	sdelay $0x4  }
0xb5: {  	v63 =	vshll.u32 v3, $0x3  }
0xb6: {  	v3 =	vand.u32 $0x7, v3;
	v4 =	vand.u32 $0xFFFFFFC0, v63  }
0xb7: {  	v3 =	vor.u32 v3, v4  }
0xb8: {  	v4 =	vperm.xlane v3, v0;
	_ =	sdelay $0x1  }
0xb9: {  	v4 =	vadd.s32 v1, v4;
	_ =	sdelay $0x3  }
0xba: {  	s19 =	simm.s32 $0xC100  }
0xbb: {  	[hbm4b:s3+s2] =	stream.indirect_vreg.scatter [tilespmem:s19], [sflag:$0x1], $0x80, v4, vm0, $0xb8;
	[tilespmem:$0x10100] =	vst v63  }
0xbc: {  	s20 =	simm.s32 $0xC900;
	v3 =	vperm.xlane v3, v2  }
0xbd: {  	[hbm4b:s4+s2] =	stream.indirect_vreg.scatter [tilespmem:s20], [sflag:$0x1], $0x80, v4, vm0, $0xb8;
	[tilespmem:$0x10100] =	vst v63  }
0xbe: {  	v3 =	vadd.s32 v1, v3;
	s19 =	simm.s32 $0xD100  }
0xbf: {  	[hbm4b:s5+s2] =	stream.indirect_vreg.scatter [tilespmem:s19], [sflag:$0x1], $0x80, v4, vm0, $0xb8;
	[tilespmem:$0x10100] =	vst v63  }
0xc0: {  	s20 =	simm.s32 $0xD900  }
0xc1: {  	[hbm4b:s6+s2] =	stream.indirect_vreg.scatter [tilespmem:s20], [sflag:$0x1], $0x80, v4, vm0, $0xb8;
	[tilespmem:$0x10100] =	vst v63  }
0xc2: {  	s19 =	simm.s32 $0xE100  }
0xc3: {  	[hbm4b:s3+s2] =	stream.indirect_vreg.scatter [tilespmem:s19], [sflag:$0x1], $0x80, v3, vm0, $0xb8;
	[tilespmem:$0x10100] =	vst v63  }
0xc4: {  	s20 =	simm.s32 $0xE900  }
0xc5: {  	[hbm4b:s4+s2] =	stream.indirect_vreg.scatter [tilespmem:s20], [sflag:$0x1], $0x80, v3, vm0, $0xb8;
	[tilespmem:$0x10100] =	vst v63  }
0xc6: {  	s19 =	simm.s32 $0xF100  }
0xc7: {  	[hbm4b:s5+s2] =	stream.indirect_vreg.scatter [tilespmem:s19], [sflag:$0x1], $0x80, v3, vm0, $0xb8;
	[tilespmem:$0x10100] =	vst v63  }
0xc8: {  	s20 =	simm.s32 $0x1  }
0xc9: {  	[hbm4b:s6+s2] =	stream.indirect_vreg.scatter [tilespmem:s0], [sflag:$0x1], $0x80, v3, vm0, $0xb8;
	[tilespmem:$0x10100] =	vst v63  }
0xca: {  	p0 =	sne.s32 s7, $0x1;
	_ =	swait.ge [sflag:s20], $0x10000  }
.Ltmp0:
0xcb: {  	[sflag:s20] =	ssyncset.done $0x0;
	(pc) =	sbr.rel @p0 .LBB2_1-.Ltmp0, $4  }
0xcc: {  	[sflag:s20] =	ssyncadd.s32 $0xFFFF0000  }
0xcd: {  	_ =	swait.ge [sflag:s20], $0x10000  }
0xce: {  	[sflag:s20] =	ssyncset.done $0x0  }
0xcf: {  	s7 =	sadd.s32 $0xFFFFFFFF, s7;
	[sflag:s20] =	ssyncadd.s32 $0xFFFF0000  }
0xd0: {  	_ =	sfence.sel $0x180000  }
0xd1: {  	[bflag:$0x0] =	sbarrier.arrive $0xFFFF  }
0xd2: {  	_ =	strace $0x90000047  }
0xd3: {  	s0 =	stileid.u32;
	[bflag:$0x2] =	sbarrier.arrive $0xFFFF  }
0xd4: {  	p0 =	sne.s32 s0, $0x0;
	s0 =	rddreg [dreg:$0x2]  }
0xd5: {  	s0 =	sadd.s32 @!p0 $0x100000, s0  }
0xd6: {  	[sflag:s0] =	ssyncadd.tile.s32 @!p0 $0x1;
	_ =	shalt  }
.Lfunc_end2:
_tile_overlayer_lowered:
.L_overlay_start_2:
0xd7: {  	(tag) =	ssettag $0x2  }
0xd8: {  	s0 =	rddreg [dreg:$0x0];
	s2 =	stileid.u32  }
0xd9: {  	s1 =	rddreg [dreg:$0x1];
	p0 =	sne.s32 s2, $0x0  }
0xda: {  	s3 =	rddreg [dreg:$0x2];
	[bflag:$0x3] =	sbarrier.arrive $0xFFFF;
	s2 =	simm.s32 @!p0 $0x1C02  }
0xdb: {  	[timem:s3], [sflag:s2] =	dma.local @!p0 [hbm:s0], s1  }
0xdc: {  	s0 =	simm.s32 @!p0 $0x2  }
0xdd: {  	_ =	swait.ge @!p0 [sflag:s0], s1  }
0xde: {  	s1 =	ssub.s32 @!p0 $0x0, s1;
	[sflag:s0] =	ssyncset.done @!p0 $0x0  }
0xdf: {  	[sflag:s0] =	ssyncadd.s32 @!p0 s1  }
0xe0: {  	[bflag:$0x3] =	sbarrier.arrive $0xFFFF  }
0xe1: {  	_ =	shalt  }

// kernel: kernel.9.cloned.1.call-start
scs
__scs_entry_jumppad:
0x0: {  	(pc) =	sbr.rel $0x88, $3  }
0x1: {  	(tag) =	ssettag $0x0;
	lr =	simm.s32 $0x1  }
0x2: {  	[smem:$0x3F9C] =	sst lr;
	_ =	strace $0xD0000000  }
0x3: {  	_ = 	snop  }
0x4: {  	_ = 	snop  }
0x5: {  	_ = 	snop  }
0x6: {  	_ = 	snop  }
0x7: {  	_ = 	snop  }
__scs_overlays_trampoline_lowered:
0x8: {  	[smem:$0x3FAB] =	sst s0  }
0x9: {  	[smem:$0x3FAC] =	sst s1  }
0xa: {  	[smem:$0x3FAD] =	sst s2  }
0xb: {  	[smem:$0x3FAE] =	sst s3  }
0xc: {  	[smem:$0x3FAF] =	sst s4  }
0xd: {  	[smem:$0x3FB0] =	sst s5  }
0xe: {  	[smem:$0x3FB1] =	sst s6  }
0xf: {  	[smem:$0x3FB2] =	sst s7  }
0x10: {  	[smem:$0x3FB3] =	sst s8  }
0x11: {  	[smem:$0x3FB4] =	sst s9;
	s0 =	simm.s32 @!p0 $0x0  }
0x12: {  	s1 =	sld [smem:$0x3F9A];
	s0 =	simm.s32 @p0 $0x1  }
0x13: {  	[smem:$0x3FB5] =	sst s0;
	s0 =	simm.s32 @!p1 $0x0  }
0x14: {  	s2 =	sld [smem:$0x3F99];
	s0 =	simm.s32 @p1 $0x1  }
0x15: {  	[smem:$0x3FB6] =	sst s0;
	s0 =	simm.s32 @!p2 $0x0  }
0x16: {  	s3 =	sld [smem:$0x3FDB];
	s0 =	simm.s32 @p2 $0x1  }
0x17: {  	s4 =	simm.s32 $0x1BF5;
	[smem:$0x3FB8] =	sst s0  }
0x18: {  	s0 =	sld [smem:$0x3F9B];
	_ =	swait.ge [sflag:s4], $0x0  }
0x19: {  	s7 =	sld [smem:$0x3F9C]  }
0x1a: {  	s8 =	sadd.s32 $0xFFFFE003, lr  }
0x1b: {  	s9 =	sadd.s32 $0xFFFFFEF7, lr;
	s5 =	simm.s32 $0xFFFFFFFF;
	p2 =	slt.u32 s8, $0xFFFFF086  }
0x1c: {  	p1 =	slt.u32 s9, $0xF7A;
	s5 =	simm.s32 @!p2 $0x0  }
0x1d: {  	s5 =	simm.s32 @p1 $0x1;
	p0 =	seq.s32 s7, s2  }
0x1e: {  	s7 =	smul.u32 @!p0 $0xF7A, s2;
	p2 =	seq.s32 @!p0 s5, $0x0  }
0x1f: {  	s9 =	smul.u32 $0xF7A, s1;
	s8 =	simm.s32 @!p0 $0x1BF5;
	p2 =	por !p2, p0  }
0x20: {  	[sflag:s8] =	ssyncset.s32 @!p0 $0xFFFFF086;
	s6 =	sadd.s32 @!p0 s3, s7;
	s7 =	simm.s32 @!p0 $0x108  }
0x21: {  	s3 =	sadd.s32 s3, s9;
	s6 =	sadd.s32 @!p0 $0x88, s6;
	s7 =	simm.s32 @p2 $0x1082  }
0x22: {  	[simem:s7], [sflag:s8] =	dma.local @!p0 [hbm:s6], $0xF7A  }
0x23: {  	s9 =	sor.u32 $0xD0000000, s2;
	s6 =	simm.s32 $0x108;
	_ =	swait.ge @!p0 [sflag:s8], $0x0  }
0x24: {  	s3 =	sadd.s32 $0x88, s3;
	s6 =	simm.s32 @!p1 $0x1082;
	[sflag:s4] =	ssyncset.s32 $0xFFFFF086  }
0x25: {  	[simem:s6], [sflag:s4] =	dma.local [hbm:s3], $0xF7A  }
0x26: {  	[smem:$0x3F9C] =	sst s1;
	(tag) =	ssettag s2;
	_ =	strace s9  }
0x27: {  	s1 =	sld [smem:$0x3FAC]  }
0x28: {  	s2 =	sld [smem:$0x3FAD]  }
0x29: {  	s4 =	sld [smem:$0x3FAF]  }
0x2a: {  	p0 =	seq.s32 s5, $0x0;
	s5 =	sld [smem:$0x3FB0]  }
0x2b: {  	s6 =	sld [smem:$0x3FB1]  }
0x2c: {  	s7 =	sld [smem:$0x3FB2]  }
0x2d: {  	s3 =	simm.s32 $0x108;
	s8 =	sld [smem:$0x3FB3]  }
0x2e: {  	s3 =	simm.s32 @!p0 $0x1082;
	s9 =	sld [smem:$0x3FB4]  }
0x2f: {  	lr =	sadd.s32 s0, s3;
	s0 =	sld [smem:$0x3FAB]  }
0x30: {  	s3 =	sld [smem:$0x3FAE]  }
0x31: {  	[smem:$0x3FB7] =	sst s10  }
0x32: {  	s10 =	sld [smem:$0x3FB5];
	_ =	sdelay $0x3  }
0x33: {  	p0 =	seq.s32 s10, $0x1;
	s10 =	sld [smem:$0x3FB7];
	_ =	sdelay $0x3  }
0x34: {  	[smem:$0x3FB7] =	sst s10  }
0x35: {  	s10 =	sld [smem:$0x3FB6];
	_ =	sdelay $0x3  }
0x36: {  	p1 =	seq.s32 s10, $0x1;
	s10 =	sld [smem:$0x3FB7];
	_ =	sdelay $0x3  }
0x37: {  	[smem:$0x3FB7] =	sst s10  }
0x38: {  	s10 =	sld [smem:$0x3FB8]  }
0x39: {  	_ = 	snop;
	(pc) =	sbr.ind lr, $3  }
0x3a: {  	_ = 	snop  }
0x3b: {  	_ = 	snop  }
0x3c: {  	p2 =	seq.s32 s10, $0x1;
	s10 =	sld [smem:$0x3FB7]  }
0x3d: {  	_ =	shalt  }
0x3e: {  	_ =	shalt  }
0x3f: {  	_ =	shalt  }
0x40: {  	_ =	shalt  }
0x41: {  	_ =	shalt  }
0x42: {  	_ =	shalt  }
0x43: {  	_ =	shalt  }
0x44: {  	_ =	shalt  }
0x45: {  	_ =	shalt  }
0x46: {  	_ =	shalt  }
0x47: {  	_ =	shalt  }
0x48: {  	_ =	shalt  }
0x49: {  	_ =	shalt  }
0x4a: {  	_ =	shalt  }
0x4b: {  	_ =	shalt  }
0x4c: {  	_ =	shalt  }
0x4d: {  	_ =	shalt  }
0x4e: {  	_ =	shalt  }
0x4f: {  	_ =	shalt  }
0x50: {  	_ =	shalt  }
0x51: {  	_ =	shalt  }
0x52: {  	_ =	shalt  }
0x53: {  	_ =	shalt  }
0x54: {  	_ =	shalt  }
0x55: {  	_ =	shalt  }
0x56: {  	_ =	shalt  }
0x57: {  	_ =	shalt  }
0x58: {  	_ =	shalt  }
0x59: {  	_ =	shalt  }
0x5a: {  	_ =	shalt  }
0x5b: {  	_ =	shalt  }
0x5c: {  	_ =	shalt  }
0x5d: {  	_ =	shalt  }
0x5e: {  	_ =	shalt  }
0x5f: {  	_ =	shalt  }
0x60: {  	_ =	shalt  }
0x61: {  	_ =	shalt  }
0x62: {  	_ =	shalt  }
0x63: {  	_ =	shalt  }
0x64: {  	_ =	shalt  }
0x65: {  	_ =	shalt  }
0x66: {  	_ =	shalt  }
0x67: {  	_ =	shalt  }
0x68: {  	_ =	shalt  }
0x69: {  	_ =	shalt  }
0x6a: {  	_ =	shalt  }
0x6b: {  	_ =	shalt  }
0x6c: {  	_ =	shalt  }
0x6d: {  	_ =	shalt  }
0x6e: {  	_ =	shalt  }
0x6f: {  	_ =	shalt  }
0x70: {  	_ =	shalt  }
0x71: {  	_ =	shalt  }
0x72: {  	_ =	shalt  }
0x73: {  	_ =	shalt  }
0x74: {  	_ =	shalt  }
0x75: {  	_ =	shalt  }
0x76: {  	_ =	shalt  }
0x77: {  	_ =	shalt  }
0x78: {  	_ =	shalt  }
0x79: {  	_ =	shalt  }
0x7a: {  	_ =	shalt  }
0x7b: {  	_ =	shalt  }
0x7c: {  	_ =	shalt  }
0x7d: {  	_ =	shalt  }
0x7e: {  	_ =	shalt  }
0x7f: {  	_ =	shalt  }
0x80: {  	_ =	shalt  }
0x81: {  	_ =	shalt  }
0x82: {  	_ =	shalt  }
0x83: {  	_ =	shalt  }
0x84: {  	_ =	shalt  }
0x85: {  	_ =	shalt  }
0x86: {  	_ =	shalt  }
0x87: {  	_ =	shalt  }
.Lfunc_end0:
.L_simem_size_0:
called_computation.1_lowered:
.L_overlay_start_0:
0x88: {  	s2 =	sld [smem:$0x3FD9]  }
0x89: {  	s3 =	sld [smem:$0x3FFE];
	_ =	sdelay $0x1  }
0x8a: {  	s1 =	srdreg.scid  }
0x8b: {  	s0 =	sand.u32 $0x1, s1  }
0x8c: {  	s14 =	sshll.u32 s0, $0xA;
	s2 =	sadd.s32 s3, s2  }
0x8d: {  	s2 =	sadd.s32 s2, s14  }
0x8e: {  	[smem:$0x3FC3] =	sst s2  }
0x8f: {  	_ = 	snop  }
0x90: {  	s2 =	sld [smem:$0x3FD0];
	_ =	sdelay $0x2  }
0x91: {  	s15 =	simm.s32 $0xA;
	s4 =	simm.s32 $0x10  }
0x92: {  	[smem:s4], [sflag:s15] =	dma.local [hbm:s2], $0x1  }
0x93: {  	_ =	swait.eq [sflag:s15], $0x1  }
0x94: {  	[sflag:s15] =	ssyncset.done $0x0  }
0x95: {  	[sflag:s15] =	ssyncadd.s32 $0xFFFFFFFF  }
0x96: {  	s16 =	sld [smem:$0x10];
	(tm) =	ssettm $0x1  }
0x97: {  	s17 =	sld [smem:$0x3FFB];
	_ =	sdelay $0x3  }
0x98: {  	_ =	strace s17  }
0x99: {  	s3 =	sld [smem:$0x3FFC];
	_ =	sdelay $0x3  }
0x9a: {  	_ =	strace s3  }
0x9b: {  	s3 =	sld [smem:$0x3FFD];
	_ =	sdelay $0x3  }
0x9c: {  	_ =	strace s3  }
0x9d: {  	_ =	strace $0x8FFFFFFF  }
0x9e: {  	s18 =	sld [smem:$0x3FDB];
	_ =	sdelay $0x1  }
0x9f: {  	s19 =	simm.s32 $_scs_section_size  }
0xa0: {  	s5 =	simm.s32 $_size__tile_overlayer_lowered;
	s6 =	simm.s32 $_tile_overlayer_lowered  }
0xa1: {  	s22 =	simm.s32 $0x1BFF;
	s21 =	sshll.u32 s6, $0x1;
	s3 =	sadd.s32 s19, s18  }
0xa2: {  	s7 =	simm.s32 $0x0;
	s20 =	sshll.u32 s5, $0x1;
	s5 =	sadd.s32 s21, s3  }
0xa3: {  	[timem:s7], [sflag:s22] =	dma.local [hbm:s5], s20  }
0xa4: {  	_ =	swait.ge [sflag:s22], s20  }
0xa5: {  	s4 =	ssub.s32 $0x0, s20;
	[sflag:s22] =	ssyncset.done $0x0  }
0xa6: {  	[sflag:s22] =	ssyncadd.s32 s4;
	_ =	sdelay $0x1  }
0xa7: {  	s23 =	simm.s32 $0x1B8B  }
0xa8: {  	_ =	swait.ge [sflag:s23], $0x1  }
0xa9: {  	[sflag:s23] =	ssyncset.done $0x0  }
0xaa: {  	s25 =	simm.s32 $0x1B8E;
	s24 =	sld [smem:$0x3FFE];
	[sflag:s23] =	ssyncadd.s32 $0xFFFFFFFF  }
0xab: {  	s26 =	simm.s32 $execute0_lowered;
	[smem:$0x3FD2] =	sst s25  }
0xac: {  	s5 =	sshll.u32 s26, $0x1;
	_ =	strace $0x80000049;
	[dreg:$0x1] =	wrdreg $0xFFFFFFFF  }
0xad: {  	s28 =	simm.s32 $_size_execute0_lowered;
	s3 =	sadd.s32 s3, s5;
	[dreg:$0x0] =	wrdreg $0x0  }
0xae: {  	s5 =	sshll.u32 s28, $0x1;
	[dreg:$0x2] =	wrdreg s3  }
0xaf: {  	[dreg:$0x3] =	wrdreg s5  }
0xb0: {  	[dreg:$0x4] =	wrdreg $0xC0  }
0xb1: {  	_ =	task [dreg:s7], $0x5FFFF  }
0xb2: {  	[dreg:$0x1] =	wrdreg $0xFFFFFFFF  }
0xb3: {  	[dreg:$0x0] =	wrdreg $0x60  }
0xb4: {  	[dreg:$0x2] =	wrdreg s24  }
0xb5: {  	[dreg:$0x3] =	wrdreg s16  }
0xb6: {  	[dreg:$0x4] =	wrdreg $0x9  }
0xb7: {  	_ =	task.clear_ibuf [dreg:s7], $0x5FFFF;
	_ =	strace $0x90000049  }
0xb8: {  	s29 =	simm.s32 $0x9;
	_ =	strace $0x8000004B  }
0xb9: {  	_ =	swait.ge [sflag:s29], $0x1  }
0xba: {  	[sflag:s29] =	ssyncadd.s32 $0xFFFFFFFF  }
0xbb: {  	_ =	strace $0x9000004B  }
0xbc: {  	_ =	sfence  }
0xbd: {  	s30 =	sld [smem:$0x0];
	_ =	sdelay $0x2  }
0xbe: {  	s31 =	sshll.u32 s1, $0xD;
	s1 =	sshrl.u32 s1, $0x2  }
0xbf: {  	s3 =	sand.u32 $0x4000, s31;
	s1 =	sadd.s32 s1, s30  }
0xc0: {  	s0 =	sor.u32 s3, s0;
	s1 =	sshll.u32 s1, $0x11  }
0xc1: {  	s0 =	sor.u32 s1, s0  }
0xc2: {  	s0 =	sadd.s32 $0x8F2B, s0  }
0xc3: {  	[sflag:s0] =	ssyncadd.remote.s32 $0x1  }
0xc4: {  	_ =	sfence.sel $0xFFFF  }
0xc5: {  	[dreg:$0x0] =	wrdreg $0xFFFFFFFF;
	(pc) =	sbr.abs _section_cstart, $3  }
0xc6: {  	[dreg:$0x1] =	wrdreg $0xFFFFFFFF  }
0xc7: {  	_ =	task.clear_ibuf [dreg:s7], $0x2FFFF;
	_ =	strace $0x9FFFFFFF  }
0xc8: {  	(tm) =	ssettm $0x7FFFFFFF  }
0xc9: {  	_ =	shalt  }
tec
execute0_lowered:
.L_overlay_start_1:
0x0: {  	(tag) =	ssettag $0x1  }
0x1: {  	s0 =	rddreg [dreg:$0x0]  }
0x2: {  	s1 =	rddreg [dreg:$0x1];
	s3 =	srdreg.scid  }
0x3: {  	s2 =	simm.s32 $0x0;
	s5 =	stileid.u32;
	s18 =	simm.s32 $0x1  }
0x4: {  	s20 =	simm.s32 $0x880;
	s21 =	simm.s32 $0x1080;
	s28 =	simm.s32 $0x4080  }
0x5: {  	s29 =	simm.s32 $0x4880;
	s30 =	simm.s32 $0x5080;
	s31 =	simm.s32 $0x5880  }
0x6: {  	s10 =	simm.s32 $0x7080;
	s11 =	simm.s32 $0x7880;
	s12 =	simm.s32 $0x8080  }
0x7: {  	s13 =	simm.s32 $0x8880;
	s14 =	simm.s32 $0x9080;
	s15 =	simm.s32 $0x9880  }
0x8: {  	s16 =	simm.s32 $0xA080;
	s17 =	simm.s32 $0xA880;
	s9 =	simm.s32 $0xB080  }
0x9: {  	s4 =	sand.u32 $0x1, s3;
	[smem:$0x7FF] =	sst s2;
	s22 =	sshll.u32 s5, $0x7  }
0xa: {  	s3 =	sadd.s32 $0x1200, s0;
	s23 =	sshll.u32 s4, $0x6;
	s4 =	ssub.s32 $0x2, s4  }
0xb: {  	_ =	strace $0x8000004A;
	s5 =	sor.u32 s23, s22;
	s7 =	sshrl.u32 s4, $0x1  }
0xc: {  	s22 =	simm.s32 $0x1880;
	s23 =	simm.s32 $0x2080;
	s6 =	sshrl.u32 s5, $0x3  }
0xd: {  	s5 =	sshll.u32 s5, $0x7;
	s7 =	ssub.s32 s4, s7;
	s4 =	sadd.s32 $0x1300, s0  }
0xe: {  	s6 =	sadd.s32 s6, s0;
	s8 =	sadd.s32 s5, s0;
	s1 =	sadd.s32 s1, s5  }
0xf: {  	s5 =	sadd.s32 $0x1400, s0;
	s24 =	sadd.s32 $0x1000, s6;
	[dreg:$0x4] =	wrdreg s1  }
0x10: {  	s7 =	smax.u32 s7, $0x1;
	s25 =	sadd.s32 $0xE00, s6;
	[dreg:$0x3] =	wrdreg s24  }
0x11: {  	v2 =	vlaneseq.u32;
	s6 =	sadd.s32 $0x1500, s0;
	s26 =	sadd.s32 $0xB9200, s8;
	[dreg:$0x5] =	wrdreg s25  }
0x12: {  	vm0 =	vmmov $0xffff;
	v1 =	vshrl.u32 v2, $0x3;
	s8 =	simm.s32 $0x2;
	s0 =	simm.s32 $0x80;
	[dreg:$0x6] =	wrdreg s26  }
0x13: {  	v0 =	vand.u32 $0x7, v2;
	v2 =	vor.u32 $0x8, v2;
	v1 =	vmul.u32 $0x8, v1;
	s24 =	simm.s32 $0x2880;
	s25 =	simm.s32 $0x3080;
	s26 =	simm.s32 $0x3880  }
.LBB2_1:
0x14: {  	s19 =	rddreg [dreg:$0x3]  }
0x15: {  	[tilespmem:s2], [sflag:$0x2] =	stream.linear.gather [hbm4b:s19+s2], $0x40, $0x38;
	[tilespmem:$0x10080] =	vst v63  }
0x16: {  	_ =	swait.ge [sflag:s8], $0x40  }
0x17: {  	[sflag:s8] =	ssyncset.done $0x0  }
0x18: {  	[sflag:s8] =	ssyncadd.s32 $0xFFFFFFC0  }
0x19: {  	v3 =	vld [tilespmem:$0x0];
	_ =	sdelay $0x4  }
0x1a: {  	v4 =	vshll.u32 v3, $0x3  }
0x1b: {  	v3 =	vand.u32 $0x7, v3;
	v4 =	vand.u32 $0xFFFFFFC0, v4  }
0x1c: {  	v3 =	vor.u32 v3, v4  }
0x1d: {  	v4 =	vperm.xlane v3, v0;
	_ =	sdelay $0x1  }
0x1e: {  	v4 =	vadd.s32 v1, v4;
	_ =	sdelay $0x4  }
0x1f: {  	[tilespmem:s0], [sflag:$0x1] =	stream.indirect_vreg.gather [hbm4b:s3+s2], $0x80, v4, vm0, $0xb8;
	[tilespmem:$0x10080] =	vst v63  }
0x20: {  	v3 =	vperm.xlane v3, v2  }
0x21: {  	[tilespmem:s20], [sflag:$0x1] =	stream.indirect_vreg.gather [hbm4b:s4+s2], $0x80, v4, vm0, $0xb8;
	[tilespmem:$0x10080] =	vst v63  }
0x22: {  	v3 =	vadd.s32 v1, v3  }
0x23: {  	[tilespmem:s21], [sflag:$0x1] =	stream.indirect_vreg.gather [hbm4b:s5+s2], $0x80, v4, vm0, $0xb8;
	[tilespmem:$0x10080] =	vst v63  }
0x24: {  	_ = 	snop  }
0x25: {  	[tilespmem:s22], [sflag:$0x1] =	stream.indirect_vreg.gather [hbm4b:s6+s2], $0x80, v4, vm0, $0xb8;
	[tilespmem:$0x10080] =	vst v63  }
0x26: {  	_ = 	snop  }
0x27: {  	[tilespmem:s23], [sflag:$0x1] =	stream.indirect_vreg.gather [hbm4b:s3+s2], $0x80, v3, vm0, $0xb8;
	[tilespmem:$0x10080] =	vst v63  }
0x28: {  	_ = 	snop  }
0x29: {  	[tilespmem:s24], [sflag:$0x1] =	stream.indirect_vreg.gather [hbm4b:s4+s2], $0x80, v3, vm0, $0xb8;
	[tilespmem:$0x10080] =	vst v63  }
0x2a: {  	_ = 	snop  }
0x2b: {  	[tilespmem:s25], [sflag:$0x1] =	stream.indirect_vreg.gather [hbm4b:s5+s2], $0x80, v3, vm0, $0xb8;
	[tilespmem:$0x10080] =	vst v63  }
0x2c: {  	_ = 	snop  }
0x2d: {  	[tilespmem:s26], [sflag:$0x1] =	stream.indirect_vreg.gather [hbm4b:s6+s2], $0x80, v3, vm0, $0xb8;
	[tilespmem:$0x10080] =	vst v63  }
0x2e: {  	v3 =	vld [tilespmem:$0x10];
	_ =	sdelay $0x4  }
0x2f: {  	v57 =	vshll.u32 v3, $0x3  }
0x30: {  	v3 =	vand.u32 $0x7, v3;
	v4 =	vand.u32 $0xFFFFFFC0, v57  }
0x31: {  	v3 =	vor.u32 v3, v4  }
0x32: {  	v4 =	vperm.xlane v3, v0;
	_ =	sdelay $0x1  }
0x33: {  	v4 =	vadd.s32 v1, v4;
	_ =	sdelay $0x4  }
0x34: {  	[tilespmem:s28], [sflag:$0x1] =	stream.indirect_vreg.gather [hbm4b:s3+s2], $0x80, v4, vm0, $0xb8;
	[tilespmem:$0x10080] =	vst v63  }
0x35: {  	v3 =	vperm.xlane v3, v2  }
0x36: {  	[tilespmem:s29], [sflag:$0x1] =	stream.indirect_vreg.gather [hbm4b:s4+s2], $0x80, v4, vm0, $0xb8;
	[tilespmem:$0x10080] =	vst v63  }
0x37: {  	v3 =	vadd.s32 v1, v3  }
0x38: {  	[tilespmem:s30], [sflag:$0x1] =	stream.indirect_vreg.gather [hbm4b:s5+s2], $0x80, v4, vm0, $0xb8;
	[tilespmem:$0x10080] =	vst v63  }
0x39: {  	_ = 	snop  }
0x3a: {  	[tilespmem:s31], [sflag:$0x1] =	stream.indirect_vreg.gather [hbm4b:s6+s2], $0x80, v4, vm0, $0xb8;
	[tilespmem:$0x10080] =	vst v63  }
0x3b: {  	s1 =	simm.s32 $0x6080  }
0x3c: {  	[tilespmem:s1], [sflag:$0x1] =	stream.indirect_vreg.gather [hbm4b:s3+s2], $0x80, v3, vm0, $0xb8;
	[tilespmem:$0x10080] =	vst v63  }
0x3d: {  	s1 =	simm.s32 $0x6880  }
0x3e: {  	[tilespmem:s1], [sflag:$0x1] =	stream.indirect_vreg.gather [hbm4b:s4+s2], $0x80, v3, vm0, $0xb8;
	[tilespmem:$0x10080] =	vst v63  }
0x3f: {  	_ = 	snop  }
0x40: {  	[tilespmem:s10], [sflag:$0x1] =	stream.indirect_vreg.gather [hbm4b:s5+s2], $0x80, v3, vm0, $0xb8;
	[tilespmem:$0x10080] =	vst v63  }
0x41: {  	_ = 	snop  }
0x42: {  	[tilespmem:s11], [sflag:$0x1] =	stream.indirect_vreg.gather [hbm4b:s6+s2], $0x80, v3, vm0, $0xb8;
	[tilespmem:$0x10080] =	vst v63  }
0x43: {  	v3 =	vld [tilespmem:$0x20];
	_ =	sdelay $0x4  }
0x44: {  	v58 =	vshll.u32 v3, $0x3  }
0x45: {  	v3 =	vand.u32 $0x7, v3;
	v4 =	vand.u32 $0xFFFFFFC0, v58  }
0x46: {  	v3 =	vor.u32 v3, v4  }
0x47: {  	v4 =	vperm.xlane v3, v0;
	_ =	sdelay $0x1  }
0x48: {  	v4 =	vadd.s32 v1, v4;
	_ =	sdelay $0x4  }
0x49: {  	[tilespmem:s12], [sflag:$0x1] =	stream.indirect_vreg.gather [hbm4b:s3+s2], $0x80, v4, vm0, $0xb8;
	[tilespmem:$0x10080] =	vst v63  }
0x4a: {  	v3 =	vperm.xlane v3, v2  }
0x4b: {  	[tilespmem:s13], [sflag:$0x1] =	stream.indirect_vreg.gather [hbm4b:s4+s2], $0x80, v4, vm0, $0xb8;
	[tilespmem:$0x10080] =	vst v63  }
0x4c: {  	v3 =	vadd.s32 v1, v3  }
0x4d: {  	[tilespmem:s14], [sflag:$0x1] =	stream.indirect_vreg.gather [hbm4b:s5+s2], $0x80, v4, vm0, $0xb8;
	[tilespmem:$0x10080] =	vst v63  }
0x4e: {  	_ = 	snop  }
0x4f: {  	[tilespmem:s15], [sflag:$0x1] =	stream.indirect_vreg.gather [hbm4b:s6+s2], $0x80, v4, vm0, $0xb8;
	[tilespmem:$0x10080] =	vst v63  }
0x50: {  	_ = 	snop  }
0x51: {  	[tilespmem:s16], [sflag:$0x1] =	stream.indirect_vreg.gather [hbm4b:s3+s2], $0x80, v3, vm0, $0xb8;
	[tilespmem:$0x10080] =	vst v63  }
0x52: {  	_ = 	snop  }
0x53: {  	[tilespmem:s17], [sflag:$0x1] =	stream.indirect_vreg.gather [hbm4b:s4+s2], $0x80, v3, vm0, $0xb8;
	[tilespmem:$0x10080] =	vst v63  }
0x54: {  	_ = 	snop  }
0x55: {  	[tilespmem:s9], [sflag:$0x1] =	stream.indirect_vreg.gather [hbm4b:s5+s2], $0x80, v3, vm0, $0xb8;
	[tilespmem:$0x10080] =	vst v63  }
0x56: {  	s19 =	simm.s32 $0xB880  }
0x57: {  	[tilespmem:s19], [sflag:$0x1] =	stream.indirect_vreg.gather [hbm4b:s6+s2], $0x80, v3, vm0, $0xb8;
	[tilespmem:$0x10080] =	vst v63  }
0x58: {  	v3 =	vld [tilespmem:$0x30];
	_ =	sdelay $0x4  }
0x59: {  	v59 =	vshll.u32 v3, $0x3  }
0x5a: {  	v3 =	vand.u32 $0x7, v3;
	v4 =	vand.u32 $0xFFFFFFC0, v59  }
0x5b: {  	v3 =	vor.u32 v3, v4  }
0x5c: {  	v4 =	vperm.xlane v3, v0;
	_ =	sdelay $0x1  }
0x5d: {  	v4 =	vadd.s32 v1, v4;
	_ =	sdelay $0x3  }
0x5e: {  	s19 =	simm.s32 $0xC080  }
0x5f: {  	[tilespmem:s19], [sflag:$0x1] =	stream.indirect_vreg.gather [hbm4b:s3+s2], $0x80, v4, vm0, $0xb8;
	[tilespmem:$0x10080] =	vst v63  }
0x60: {  	v3 =	vperm.xlane v3, v2;
	s19 =	simm.s32 $0xC880  }
0x61: {  	[tilespmem:s19], [sflag:$0x1] =	stream.indirect_vreg.gather [hbm4b:s4+s2], $0x80, v4, vm0, $0xb8;
	[tilespmem:$0x10080] =	vst v63  }
0x62: {  	v3 =	vadd.s32 v1, v3;
	s19 =	simm.s32 $0xD080  }
0x63: {  	[tilespmem:s19], [sflag:$0x1] =	stream.indirect_vreg.gather [hbm4b:s5+s2], $0x80, v4, vm0, $0xb8;
	[tilespmem:$0x10080] =	vst v63  }
0x64: {  	s19 =	simm.s32 $0xD880  }
0x65: {  	[tilespmem:s19], [sflag:$0x1] =	stream.indirect_vreg.gather [hbm4b:s6+s2], $0x80, v4, vm0, $0xb8;
	[tilespmem:$0x10080] =	vst v63  }
0x66: {  	s19 =	simm.s32 $0xE080  }
0x67: {  	[tilespmem:s19], [sflag:$0x1] =	stream.indirect_vreg.gather [hbm4b:s3+s2], $0x80, v3, vm0, $0xb8;
	[tilespmem:$0x10080] =	vst v63  }
0x68: {  	s19 =	simm.s32 $0xE880  }
0x69: {  	[tilespmem:s19], [sflag:$0x1] =	stream.indirect_vreg.gather [hbm4b:s4+s2], $0x80, v3, vm0, $0xb8;
	[tilespmem:$0x10080] =	vst v63  }
0x6a: {  	s19 =	simm.s32 $0xF080  }
0x6b: {  	[tilespmem:s19], [sflag:$0x1] =	stream.indirect_vreg.gather [hbm4b:s5+s2], $0x80, v3, vm0, $0xb8;
	[tilespmem:$0x10080] =	vst v63  }
0x6c: {  	s19 =	simm.s32 $0xF880  }
0x6d: {  	[tilespmem:s19], [sflag:$0x1] =	stream.indirect_vreg.gather [hbm4b:s6+s2], $0x80, v3, vm0, $0xb8;
	[tilespmem:$0x10080] =	vst v63  }
0x6e: {  	_ =	swait.ge [sflag:s18], $0x10000  }
0x6f: {  	[sflag:s18] =	ssyncset.done $0x0  }
0x70: {  	s19 =	rddreg [dreg:$0x4];
	[sflag:s18] =	ssyncadd.s32 $0xFFFF0000  }
0x71: {  	[hbm4b:s19+s2] =	stream.linear.scatter [tilespmem:s0], [sflag:$0x2], $0x10000, $0x38;
	[tilespmem:$0x10080] =	vst v63  }
0x72: {  	_ =	swait.ge [sflag:s8], $0x10000  }
0x73: {  	[sflag:s8] =	ssyncset.done $0x0  }
0x74: {  	s19 =	rddreg [dreg:$0x5];
	[sflag:s8] =	ssyncadd.s32 $0xFFFF0000  }
0x75: {  	[tilespmem:s2], [sflag:$0x2] =	stream.linear.gather [hbm4b:s19+s2], $0x40, $0x38;
	[tilespmem:$0x10080] =	vst v63  }
0x76: {  	_ =	swait.ge [sflag:s8], $0x40  }
0x77: {  	[sflag:s8] =	ssyncset.done $0x0  }
0x78: {  	[sflag:s8] =	ssyncadd.s32 $0xFFFFFFC0  }
0x79: {  	v3 =	vld [tilespmem:$0x0];
	_ =	sdelay $0x4  }
0x7a: {  	v60 =	vshll.u32 v3, $0x3  }
0x7b: {  	v3 =	vand.u32 $0x7, v3;
	v4 =	vand.u32 $0xFFFFFFC0, v60  }
0x7c: {  	v3 =	vor.u32 v3, v4  }
0x7d: {  	v4 =	vperm.xlane v3, v0;
	_ =	sdelay $0x1  }
0x7e: {  	v4 =	vadd.s32 v1, v4;
	_ =	sdelay $0x4  }
0x7f: {  	[tilespmem:s0], [sflag:$0x1] =	stream.indirect_vreg.gather [hbm4b:s3+s2], $0x80, v4, vm0, $0xb8;
	[tilespmem:$0x10080] =	vst v63  }
0x80: {  	v3 =	vperm.xlane v3, v2  }
0x81: {  	[tilespmem:s20], [sflag:$0x1] =	stream.indirect_vreg.gather [hbm4b:s4+s2], $0x80, v4, vm0, $0xb8;
	[tilespmem:$0x10080] =	vst v63  }
0x82: {  	v3 =	vadd.s32 v1, v3  }
0x83: {  	[tilespmem:s21], [sflag:$0x1] =	stream.indirect_vreg.gather [hbm4b:s5+s2], $0x80, v4, vm0, $0xb8;
	[tilespmem:$0x10080] =	vst v63  }
0x84: {  	_ = 	snop  }
0x85: {  	[tilespmem:s22], [sflag:$0x1] =	stream.indirect_vreg.gather [hbm4b:s6+s2], $0x80, v4, vm0, $0xb8;
	[tilespmem:$0x10080] =	vst v63  }
0x86: {  	_ = 	snop  }
0x87: {  	[tilespmem:s23], [sflag:$0x1] =	stream.indirect_vreg.gather [hbm4b:s3+s2], $0x80, v3, vm0, $0xb8;
	[tilespmem:$0x10080] =	vst v63  }
0x88: {  	_ = 	snop  }
0x89: {  	[tilespmem:s24], [sflag:$0x1] =	stream.indirect_vreg.gather [hbm4b:s4+s2], $0x80, v3, vm0, $0xb8;
	[tilespmem:$0x10080] =	vst v63  }
0x8a: {  	_ = 	snop  }
0x8b: {  	[tilespmem:s25], [sflag:$0x1] =	stream.indirect_vreg.gather [hbm4b:s5+s2], $0x80, v3, vm0, $0xb8;
	[tilespmem:$0x10080] =	vst v63  }
0x8c: {  	_ = 	snop  }
0x8d: {  	[tilespmem:s26], [sflag:$0x1] =	stream.indirect_vreg.gather [hbm4b:s6+s2], $0x80, v3, vm0, $0xb8;
	[tilespmem:$0x10080] =	vst v63  }
0x8e: {  	v3 =	vld [tilespmem:$0x10];
	_ =	sdelay $0x4  }
0x8f: {  	v61 =	vshll.u32 v3, $0x3  }
0x90: {  	v3 =	vand.u32 $0x7, v3;
	v4 =	vand.u32 $0xFFFFFFC0, v61  }
0x91: {  	v3 =	vor.u32 v3, v4  }
0x92: {  	v4 =	vperm.xlane v3, v0;
	_ =	sdelay $0x1  }
0x93: {  	v4 =	vadd.s32 v1, v4;
	_ =	sdelay $0x4  }
0x94: {  	[tilespmem:s28], [sflag:$0x1] =	stream.indirect_vreg.gather [hbm4b:s3+s2], $0x80, v4, vm0, $0xb8;
	[tilespmem:$0x10080] =	vst v63  }
0x95: {  	v3 =	vperm.xlane v3, v2  }
0x96: {  	[tilespmem:s29], [sflag:$0x1] =	stream.indirect_vreg.gather [hbm4b:s4+s2], $0x80, v4, vm0, $0xb8;
	[tilespmem:$0x10080] =	vst v63  }
0x97: {  	v3 =	vadd.s32 v1, v3  }
0x98: {  	[tilespmem:s30], [sflag:$0x1] =	stream.indirect_vreg.gather [hbm4b:s5+s2], $0x80, v4, vm0, $0xb8;
	[tilespmem:$0x10080] =	vst v63  }
0x99: {  	_ = 	snop  }
0x9a: {  	[tilespmem:s31], [sflag:$0x1] =	stream.indirect_vreg.gather [hbm4b:s6+s2], $0x80, v4, vm0, $0xb8;
	[tilespmem:$0x10080] =	vst v63  }
0x9b: {  	s19 =	simm.s32 $0x6080  }
0x9c: {  	[tilespmem:s19], [sflag:$0x1] =	stream.indirect_vreg.gather [hbm4b:s3+s2], $0x80, v3, vm0, $0xb8;
	[tilespmem:$0x10080] =	vst v63  }
0x9d: {  	_ = 	snop  }
0x9e: {  	[tilespmem:s1], [sflag:$0x1] =	stream.indirect_vreg.gather [hbm4b:s4+s2], $0x80, v3, vm0, $0xb8;
	[tilespmem:$0x10080] =	vst v63  }
0x9f: {  	_ = 	snop  }
0xa0: {  	[tilespmem:s10], [sflag:$0x1] =	stream.indirect_vreg.gather [hbm4b:s5+s2], $0x80, v3, vm0, $0xb8;
	[tilespmem:$0x10080] =	vst v63  }
0xa1: {  	_ = 	snop  }
0xa2: {  	[tilespmem:s11], [sflag:$0x1] =	stream.indirect_vreg.gather [hbm4b:s6+s2], $0x80, v3, vm0, $0xb8;
	[tilespmem:$0x10080] =	vst v63  }
0xa3: {  	v3 =	vld [tilespmem:$0x20];
	_ =	sdelay $0x4  }
0xa4: {  	v62 =	vshll.u32 v3, $0x3  }
0xa5: {  	v3 =	vand.u32 $0x7, v3;
	v4 =	vand.u32 $0xFFFFFFC0, v62  }
0xa6: {  	v3 =	vor.u32 v3, v4  }
0xa7: {  	v4 =	vperm.xlane v3, v0;
	_ =	sdelay $0x1  }
0xa8: {  	v4 =	vadd.s32 v1, v4;
	_ =	sdelay $0x4  }
0xa9: {  	[tilespmem:s12], [sflag:$0x1] =	stream.indirect_vreg.gather [hbm4b:s3+s2], $0x80, v4, vm0, $0xb8;
	[tilespmem:$0x10080] =	vst v63  }
0xaa: {  	v3 =	vperm.xlane v3, v2  }
0xab: {  	[tilespmem:s13], [sflag:$0x1] =	stream.indirect_vreg.gather [hbm4b:s4+s2], $0x80, v4, vm0, $0xb8;
	[tilespmem:$0x10080] =	vst v63  }
0xac: {  	v3 =	vadd.s32 v1, v3  }
0xad: {  	[tilespmem:s14], [sflag:$0x1] =	stream.indirect_vreg.gather [hbm4b:s5+s2], $0x80, v4, vm0, $0xb8;
	[tilespmem:$0x10080] =	vst v63  }
0xae: {  	_ = 	snop  }
0xaf: {  	[tilespmem:s15], [sflag:$0x1] =	stream.indirect_vreg.gather [hbm4b:s6+s2], $0x80, v4, vm0, $0xb8;
	[tilespmem:$0x10080] =	vst v63  }
0xb0: {  	_ = 	snop  }
0xb1: {  	[tilespmem:s16], [sflag:$0x1] =	stream.indirect_vreg.gather [hbm4b:s3+s2], $0x80, v3, vm0, $0xb8;
	[tilespmem:$0x10080] =	vst v63  }
0xb2: {  	_ = 	snop  }
0xb3: {  	[tilespmem:s17], [sflag:$0x1] =	stream.indirect_vreg.gather [hbm4b:s4+s2], $0x80, v3, vm0, $0xb8;
	[tilespmem:$0x10080] =	vst v63  }
0xb4: {  	_ = 	snop  }
0xb5: {  	[tilespmem:s9], [sflag:$0x1] =	stream.indirect_vreg.gather [hbm4b:s5+s2], $0x80, v3, vm0, $0xb8;
	[tilespmem:$0x10080] =	vst v63  }
0xb6: {  	s19 =	simm.s32 $0xB880  }
0xb7: {  	[tilespmem:s19], [sflag:$0x1] =	stream.indirect_vreg.gather [hbm4b:s6+s2], $0x80, v3, vm0, $0xb8;
	[tilespmem:$0x10080] =	vst v63  }
0xb8: {  	v3 =	vld [tilespmem:$0x30];
	_ =	sdelay $0x4  }
0xb9: {  	v63 =	vshll.u32 v3, $0x3  }
0xba: {  	v3 =	vand.u32 $0x7, v3;
	v4 =	vand.u32 $0xFFFFFFC0, v63  }
0xbb: {  	v3 =	vor.u32 v3, v4  }
0xbc: {  	v4 =	vperm.xlane v3, v0;
	_ =	sdelay $0x1  }
0xbd: {  	v4 =	vadd.s32 v1, v4;
	_ =	sdelay $0x3  }
0xbe: {  	s19 =	simm.s32 $0xC080  }
0xbf: {  	[tilespmem:s19], [sflag:$0x1] =	stream.indirect_vreg.gather [hbm4b:s3+s2], $0x80, v4, vm0, $0xb8;
	[tilespmem:$0x10080] =	vst v63  }
0xc0: {  	v3 =	vperm.xlane v3, v2;
	s19 =	simm.s32 $0xC880  }
0xc1: {  	[tilespmem:s19], [sflag:$0x1] =	stream.indirect_vreg.gather [hbm4b:s4+s2], $0x80, v4, vm0, $0xb8;
	[tilespmem:$0x10080] =	vst v63  }
0xc2: {  	v3 =	vadd.s32 v1, v3;
	s19 =	simm.s32 $0xD080  }
0xc3: {  	[tilespmem:s19], [sflag:$0x1] =	stream.indirect_vreg.gather [hbm4b:s5+s2], $0x80, v4, vm0, $0xb8;
	[tilespmem:$0x10080] =	vst v63  }
0xc4: {  	s19 =	simm.s32 $0xD880  }
0xc5: {  	[tilespmem:s19], [sflag:$0x1] =	stream.indirect_vreg.gather [hbm4b:s6+s2], $0x80, v4, vm0, $0xb8;
	[tilespmem:$0x10080] =	vst v63  }
0xc6: {  	s19 =	simm.s32 $0xE080  }
0xc7: {  	[tilespmem:s19], [sflag:$0x1] =	stream.indirect_vreg.gather [hbm4b:s3+s2], $0x80, v3, vm0, $0xb8;
	[tilespmem:$0x10080] =	vst v63  }
0xc8: {  	s19 =	simm.s32 $0xE880  }
0xc9: {  	[tilespmem:s19], [sflag:$0x1] =	stream.indirect_vreg.gather [hbm4b:s4+s2], $0x80, v3, vm0, $0xb8;
	[tilespmem:$0x10080] =	vst v63  }
0xca: {  	s19 =	simm.s32 $0xF080  }
0xcb: {  	[tilespmem:s19], [sflag:$0x1] =	stream.indirect_vreg.gather [hbm4b:s5+s2], $0x80, v3, vm0, $0xb8;
	[tilespmem:$0x10080] =	vst v63  }
0xcc: {  	s19 =	simm.s32 $0xF880  }
0xcd: {  	[tilespmem:s19], [sflag:$0x1] =	stream.indirect_vreg.gather [hbm4b:s6+s2], $0x80, v3, vm0, $0xb8;
	[tilespmem:$0x10080] =	vst v63  }
0xce: {  	_ =	swait.ge [sflag:s18], $0x10000  }
0xcf: {  	p0 =	sne.s32 s7, $0x1;
	[sflag:s18] =	ssyncset.done $0x0  }
.Ltmp0:
0xd0: {  	s1 =	rddreg [dreg:$0x6];
	[sflag:s18] =	ssyncadd.s32 $0xFFFF0000;
	(pc) =	sbr.rel @p0 .LBB2_1-.Ltmp0, $4  }
0xd1: {  	[hbm4b:s1+s2] =	stream.linear.scatter [tilespmem:s0], [sflag:$0x2], $0x10000, $0x38;
	[tilespmem:$0x10080] =	vst v63  }
0xd2: {  	_ =	swait.ge [sflag:s8], $0x10000  }
0xd3: {  	[sflag:s8] =	ssyncset.done $0x0  }
0xd4: {  	s7 =	sadd.s32 $0xFFFFFFFF, s7;
	[sflag:s8] =	ssyncadd.s32 $0xFFFF0000  }
0xd5: {  	_ =	sfence.sel $0x180000  }
0xd6: {  	[bflag:$0x0] =	sbarrier.arrive $0xFFFF  }
0xd7: {  	_ =	strace $0x9000004A  }
0xd8: {  	s0 =	stileid.u32;
	[bflag:$0x2] =	sbarrier.arrive $0xFFFF  }
0xd9: {  	p0 =	sne.s32 s0, $0x0;
	s0 =	rddreg [dreg:$0x2]  }
0xda: {  	s0 =	sadd.s32 @!p0 $0x100000, s0  }
0xdb: {  	[sflag:s0] =	ssyncadd.tile.s32 @!p0 $0x1;
	_ =	shalt  }
.Lfunc_end2:
_tile_overlayer_lowered:
.L_overlay_start_2:
0xdc: {  	(tag) =	ssettag $0x2  }
0xdd: {  	s0 =	rddreg [dreg:$0x0];
	s2 =	stileid.u32  }
0xde: {  	s1 =	rddreg [dreg:$0x1];
	p0 =	sne.s32 s2, $0x0  }
0xdf: {  	s3 =	rddreg [dreg:$0x2];
	[bflag:$0x3] =	sbarrier.arrive $0xFFFF;
	s2 =	simm.s32 @!p0 $0x1C02  }
0xe0: {  	[timem:s3], [sflag:s2] =	dma.local @!p0 [hbm:s0], s1  }
0xe1: {  	s0 =	simm.s32 @!p0 $0x2  }
0xe2: {  	_ =	swait.ge @!p0 [sflag:s0], s1  }
0xe3: {  	s1 =	ssub.s32 @!p0 $0x0, s1;
	[sflag:s0] =	ssyncset.done @!p0 $0x0  }
0xe4: {  	[sflag:s0] =	ssyncadd.s32 @!p0 s1  }
0xe5: {  	[bflag:$0x3] =	sbarrier.arrive $0xFFFF  }
0xe6: {  	_ =	shalt  }

</sc_bundles>
